<compile_context>
chip_gen: v7x
topology: tpu7x:2x2x1
jax: 0.10.2.dev20260603
libtpu: 0.0.44.dev20260713+nightly
codegen_flags: <defaults>
</compile_context>

<pallas_src>
import functools

import jax
import jax.numpy as jnp
from jax import lax
from jax.experimental import pallas as pl
from jax.experimental.pallas import tpu as pltpu
from jax.experimental.pallas import tpu_sc as plsc

N = 16384
IDIM = 64
ODIM = 1000
KNOISE = 25
RED_PITCH = 17

NUM_WORKERS = 32
CHUNK = N // NUM_WORKERS
GROUPS = CHUNK // 16

TC_BLK = 2048



def _sc_body(inp_hbm, tgt_hbm, w_hbm, b_hbm, u_hbm,
             pmt_hbm, pnt_hbm,
             btab, utab, inp_v, wrows, tgt_v, pmt_v, pnt_v, red_v,
             sem_i, sem_w, sem_b, sem_u):
    wid = lax.axis_index("s") * 2 + lax.axis_index("c")
    base = wid * CHUNK

    pltpu.sync_copy(tgt_hbm.at[pl.ds(base, CHUNK)], tgt_v)
    cp_i = pltpu.async_copy(inp_hbm.at[pl.ds(base, CHUNK)], inp_v, sem_i)
    cp_w = pltpu.async_copy(w_hbm.at[tgt_v], wrows, sem_w)
    cp_b = pltpu.async_copy(b_hbm, btab, sem_b)
    cp_u = pltpu.async_copy(u_hbm, utab, sem_u)
    cp_i.wait()
    cp_w.wait()
    cp_b.wait()
    cp_u.wait()

    lane = lax.broadcasted_iota(jnp.int32, (16,), 0)
    lane17 = lane * RED_PITCH

    def group(g, carry):
        row0 = g * 16
        tg = tgt_v[pl.ds(row0, 16)]

        for j in range(16):
            r = row0 + j
            s = (inp_v[r, pl.ds(0, 16)] * wrows[r, pl.ds(0, 16)]
                 + inp_v[r, pl.ds(16, 16)] * wrows[r, pl.ds(16, 16)]) + \
                (inp_v[r, pl.ds(32, 16)] * wrows[r, pl.ds(32, 16)]
                 + inp_v[r, pl.ds(48, 16)] * wrows[r, pl.ds(48, 16)])
            plsc.store_scatter(red_v, [lane17 + j], s)

        acc = plsc.load_gather(btab, [tg])
        for k in range(16):
            acc = acc + red_v[pl.ds(k * RED_PITCH, 16)]
        pmt_v[pl.ds(row0, 16)] = jnp.exp(acc)
        pnt_v[pl.ds(row0, 16)] = plsc.load_gather(utab, [tg])
        return carry

    lax.fori_loop(0, GROUPS, group, 0)

    pltpu.sync_copy(pmt_v, pmt_hbm.at[pl.ds(base, CHUNK)])
    pltpu.sync_copy(pnt_v, pnt_hbm.at[pl.ds(base, CHUNK)])


_sc_call = functools.partial(
    pl.kernel,
    out_type=(
        jax.ShapeDtypeStruct((N,), jnp.float32),
        jax.ShapeDtypeStruct((N,), jnp.float32),
    ),
    mesh=plsc.VectorSubcoreMesh(core_axis_name="c", subcore_axis_name="s"),
    compiler_params=pltpu.CompilerParams(needs_layout_passes=False,
                                         use_tc_tiling_on_sc=False),
    scratch_types=[
        pltpu.VMEM((ODIM,), jnp.float32),
        pltpu.VMEM((ODIM,), jnp.float32),
        pltpu.VMEM((CHUNK, IDIM), jnp.float32),
        pltpu.VMEM((CHUNK, IDIM), jnp.float32),
        pltpu.VMEM((CHUNK,), jnp.int32),
        pltpu.VMEM((CHUNK,), jnp.float32),
        pltpu.VMEM((CHUNK,), jnp.float32),
        pltpu.VMEM((16 * RED_PITCH,), jnp.float32),
        pltpu.SemaphoreType.DMA,
        pltpu.SemaphoreType.DMA,
        pltpu.SemaphoreType.DMA,
        pltpu.SemaphoreType.DMA,
    ],
)(_sc_body)



def _tc_body(noise_ref, inp_ref, w_ref, b_ref, u_ref, pmn_ref, pnn_ref):
    nz = noise_ref[...]
    col = lax.broadcasted_iota(jnp.int32, (KNOISE, ODIM), 1)
    oh = jnp.where(col == nz, 1.0, 0.0).astype(jnp.float32)

    wn = jax.lax.dot_general(oh, w_ref[...], (((1,), (0,)), ((), ())),
                             preferred_element_type=jnp.float32)
    bn = jax.lax.dot_general(oh, b_ref[...], (((1,), (0,)), ((), ())),
                             preferred_element_type=jnp.float32)
    un = jax.lax.dot_general(oh, u_ref[...], (((1,), (0,)), ((), ())),
                             preferred_element_type=jnp.float32)

    x = inp_ref[...]
    logits_t = jax.lax.dot_general(wn, x, (((1,), (1,)), ((), ())),
                                   preferred_element_type=jnp.float32)
    pmn_ref[...] = jnp.exp(logits_t + bn)
    pnn_ref[...] = jnp.broadcast_to(un, (KNOISE, TC_BLK))


def _tc_call(noise2d, inp, w, b_row, u_row):
    grid = (N // TC_BLK,)
    return pl.pallas_call(
        _tc_body,
        grid=grid,
        in_specs=[
            pl.BlockSpec((KNOISE, 1), lambda i: (0, 0)),
            pl.BlockSpec((TC_BLK, IDIM), lambda i: (i, 0)),
            pl.BlockSpec((ODIM, IDIM), lambda i: (0, 0)),
            pl.BlockSpec((ODIM, 1), lambda i: (0, 0)),
            pl.BlockSpec((ODIM, 1), lambda i: (0, 0)),
        ],
        out_specs=[
            pl.BlockSpec((KNOISE, TC_BLK), lambda i: (0, i)),
            pl.BlockSpec((KNOISE, TC_BLK), lambda i: (0, i)),
        ],
        out_shape=[
            jax.ShapeDtypeStruct((KNOISE, N), jnp.float32),
            jax.ShapeDtypeStruct((KNOISE, N), jnp.float32),
        ],
    )(noise2d, inp, w, b_row, u_row)



def kernel(input, target, noise, weight, bias, unigram_prob):
    noise2d = noise.reshape(KNOISE, 1)
    b_col = bias.reshape(ODIM, 1)
    u_col = unigram_prob.reshape(ODIM, 1)

    pmt, pnt = _sc_call(input, target, weight, bias, unigram_prob)
    pmn_t, pnn_t = _tc_call(noise2d, input, weight, b_col, u_col)
    return pmt, pnt, pmn_t.T, pnn_t.T

# --- scband reference (transcript-rebuilt; emitter-appended) ---
"""Pipeline reference for scband-linear-nce-57071525429754 (READ-ONLY COPY).

The authoritative reference and input builder live on the scoring server;
editing this copy changes nothing except your own understanding.
"""

import jax, jax.numpy as jnp
import numpy as np

IDIM = 64
ODIM = 1000
N = 16384
NUM_NOISE = 25

def setup_inputs(seed: int = 0):
    key = jax.random.key(seed)
    k1, k2, k3, k4 = jax.random.split(key, 4)
    inp = jax.random.normal(k1, (N, IDIM), dtype=jnp.float32)
    target = jax.random.randint(k2, (N,), 0, ODIM, dtype=jnp.int32)
    stdv = 1.0 / np.sqrt(IDIM)
    weight = jax.random.uniform(k3, (ODIM, IDIM), minval=-stdv, maxval=stdv, dtype=jnp.float32)
    bias = jnp.full((ODIM,), -np.log(ODIM), dtype=jnp.float32)
    unigram_prob = jnp.full((ODIM,), 1.0 / ODIM, dtype=jnp.float32)
    # torch samples noise inside forward via multinomial; we sample once here for determinism
    noise = jax.random.choice(k4, ODIM, shape=(NUM_NOISE,), replace=True, p=unigram_prob).astype(jnp.int32)
    return {"input": inp, "target": target, "noise": noise, "weight": weight, "bias": bias, "unigram_prob": unigram_prob}

def reference(input, target, noise, weight, bias, unigram_prob):
    num_input = input.shape[0]
    K = noise.shape[0]
    idim = input.shape[1]
    w_target = jnp.take(weight, target, axis=0)
    b_target = jnp.take(bias, target, axis=0)
    w_noise = jnp.take(weight, noise, axis=0)
    b_noise = jnp.take(bias, noise, axis=0)
    pmt = jnp.exp(jnp.sum(input * w_target, axis=1) + b_target)
    pnt = jnp.take(unigram_prob, target, axis=0)
    w_noise_rep = jnp.reshape(jnp.repeat(w_noise[:, None, :], num_input, axis=1), (-1, idim))
    b_noise_rep = jnp.reshape(jnp.repeat(b_noise[:, None], num_input, axis=1), (-1,))
    inp_rep = jnp.tile(input, (K, 1))
    pmn = jnp.exp(jnp.sum(inp_rep * w_noise_rep, axis=1) + b_noise_rep)
    pmn = jnp.reshape(pmn, (K, num_input)).T
    pnn = jnp.broadcast_to(jnp.take(unigram_prob, noise, axis=0)[None, :], (num_input, K))
    return (pmt, pnt, pmn, pnn)

if __name__ == "__main__":
    import jax
    _d = setup_inputs()
    print(jax.jit(kernel)(*tuple(_d.values())))

</pallas_src>

<mosaic_0001>
#map = affine_map<(d0, d1) -> (0, 0)>
#map1 = affine_map<(d0, d1) -> (0)>
module attributes {stable_mosaic.version = 14 : i64} {
  func.func @_sc_body(%arg0: i32, %arg1: i32, %arg2: memref<16384x64xf32, #tpu.memory_space<hbm>>, %arg3: memref<16384xi32, #tpu.memory_space<hbm>>, %arg4: memref<1000x64xf32, #tpu.memory_space<hbm>>, %arg5: memref<1000xf32, #tpu.memory_space<hbm>>, %arg6: memref<1000xf32, #tpu.memory_space<hbm>>, %arg7: memref<16384xf32, #tpu.memory_space<hbm>>, %arg8: memref<16384xf32, #tpu.memory_space<hbm>>, %arg9: memref<1000xf32, #tpu.memory_space<vmem>>, %arg10: memref<1000xf32, #tpu.memory_space<vmem>>, %arg11: memref<512x64xf32, #tpu.memory_space<vmem>>, %arg12: memref<512x64xf32, #tpu.memory_space<vmem>>, %arg13: memref<512xi32, #tpu.memory_space<vmem>>, %arg14: memref<512xf32, #tpu.memory_space<vmem>>, %arg15: memref<512xf32, #tpu.memory_space<vmem>>, %arg16: memref<272xf32, #tpu.memory_space<vmem>>, %arg17: memref<!tpu.dma_semaphore, #tpu.memory_space<semaphore_mem>>, %arg18: memref<!tpu.dma_semaphore, #tpu.memory_space<semaphore_mem>>, %arg19: memref<!tpu.dma_semaphore, #tpu.memory_space<semaphore_mem>>, %arg20: memref<!tpu.dma_semaphore, #tpu.memory_space<semaphore_mem>>) attributes {dimension_semantics = [#tpu.dimension_semantics<core_parallel>, #tpu.dimension_semantics<subcore_parallel>], iteration_bounds = array<i64: 2, 16>, scalar_prefetch = 0 : i64, scratch_operands = 12 : i64, tpu.core_type = #tpu.core_type<sc_vector_subcore>, window_params = [{transform_indices = #map}, {transform_indices = #map1}, {transform_indices = #map}, {transform_indices = #map1}, {transform_indices = #map1}, {transform_indices = #map1}, {transform_indices = #map1}]} {
    %mul3A = arith.constant 2 : i32
    %mul3A_0 = arith.muli %arg1, %mul3A : i32
    %add3A = arith.addi %mul3A_0, %arg0 : i32
    %mul3A_1 = arith.constant 512 : i32
    %mul3A_2 = arith.muli %add3A, %mul3A_1 : i32
    "tpu.region"() ({
      %run_scoped3A = tpu.sem_alloc : memref<!tpu.dma_semaphore, #tpu.memory_space<semaphore_mem>>
      %dma_start3A_23 = tpu.memref_slice %arg3[%mul3A_2] : memref<16384xi32, #tpu.memory_space<hbm>> -> memref<512xi32, #tpu.memory_space<hbm>>
      %dma_start3A_24 = tpu.memref_slice %arg3[%mul3A_2] : memref<16384xi32, #tpu.memory_space<hbm>> -> memref<512xi32, #tpu.memory_space<hbm>>
      tpu.enqueue_dma source(%dma_start3A_24 : memref<512xi32, #tpu.memory_space<hbm>>) target(%arg13 : memref<512xi32, #tpu.memory_space<vmem>>) target_semaphore(%run_scoped3A : memref<!tpu.dma_semaphore, #tpu.memory_space<semaphore_mem>>)
      %dma_wait3A_25 = tpu.memref_slice %arg3[%mul3A_2] : memref<16384xi32, #tpu.memory_space<hbm>> -> memref<512xi32, #tpu.memory_space<hbm>>
      %dma_wait3A_26 = tpu.memref_slice %arg3[%mul3A_2] : memref<16384xi32, #tpu.memory_space<hbm>> -> memref<512xi32, #tpu.memory_space<hbm>>
      tpu.wait_dma2 semaphore(%run_scoped3A : memref<!tpu.dma_semaphore, #tpu.memory_space<semaphore_mem>>) src(%dma_wait3A_26 : memref<512xi32, #tpu.memory_space<hbm>>) dst(%arg13 : memref<512xi32, #tpu.memory_space<vmem>>)
      tpu.yield
    }) : () -> ()
    %dma_start3A = arith.constant 0 : i32
    %dma_start3A_3 = tpu.memref_slice %arg2[%mul3A_2, %dma_start3A] : memref<16384x64xf32, #tpu.memory_space<hbm>> -> memref<512x64xf32, #tpu.memory_space<hbm>>
    %dma_start3A_4 = arith.constant 0 : i32
    %dma_start3A_5 = tpu.memref_slice %arg2[%mul3A_2, %dma_start3A_4] : memref<16384x64xf32, #tpu.memory_space<hbm>> -> memref<512x64xf32, #tpu.memory_space<hbm>>
    tpu.enqueue_dma source(%dma_start3A_5 : memref<512x64xf32, #tpu.memory_space<hbm>>) target(%arg11 : memref<512x64xf32, #tpu.memory_space<vmem>>) target_semaphore(%arg17 : memref<!tpu.dma_semaphore, #tpu.memory_space<semaphore_mem>>)
    %dma_start3A_6 = arith.constant 0 : i32
    %dma_start3A_7 = arith.constant 0 : i32
    %dma_start3A_8 = tpu.memref_slice %arg4[%dma_start3A_6, %dma_start3A_7] : memref<1000x64xf32, #tpu.memory_space<hbm>> -> memref<1000x64xf32, #tpu.memory_space<hbm>>
    tpu.enqueue_indirect_dma source(%dma_start3A_8 : memref<1000x64xf32, #tpu.memory_space<hbm>>) target(%arg12 : memref<512x64xf32, #tpu.memory_space<vmem>>) offsets(%arg13 : memref<512xi32, #tpu.memory_space<vmem>>) semaphore(%arg18 : memref<!tpu.dma_semaphore, #tpu.memory_space<semaphore_mem>>)
    tpu.enqueue_dma source(%arg5 : memref<1000xf32, #tpu.memory_space<hbm>>) target(%arg9 : memref<1000xf32, #tpu.memory_space<vmem>>) target_semaphore(%arg19 : memref<!tpu.dma_semaphore, #tpu.memory_space<semaphore_mem>>)
    tpu.enqueue_dma source(%arg6 : memref<1000xf32, #tpu.memory_space<hbm>>) target(%arg10 : memref<1000xf32, #tpu.memory_space<vmem>>) target_semaphore(%arg20 : memref<!tpu.dma_semaphore, #tpu.memory_space<semaphore_mem>>)
    %dma_wait3A = arith.constant 0 : i32
    %dma_wait3A_9 = tpu.memref_slice %arg2[%mul3A_2, %dma_wait3A] : memref<16384x64xf32, #tpu.memory_space<hbm>> -> memref<512x64xf32, #tpu.memory_space<hbm>>
    %dma_wait3A_10 = arith.constant 0 : i32
    %dma_wait3A_11 = tpu.memref_slice %arg2[%mul3A_2, %dma_wait3A_10] : memref<16384x64xf32, #tpu.memory_space<hbm>> -> memref<512x64xf32, #tpu.memory_space<hbm>>
    tpu.wait_dma2 semaphore(%arg17 : memref<!tpu.dma_semaphore, #tpu.memory_space<semaphore_mem>>) src(%dma_wait3A_11 : memref<512x64xf32, #tpu.memory_space<hbm>>) dst(%arg11 : memref<512x64xf32, #tpu.memory_space<vmem>>)
    %dma_wait3A_12 = arith.constant 0 : i32
    %dma_wait3A_13 = arith.constant 0 : i32
    %dma_wait3A_14 = tpu.memref_slice %arg4[%dma_wait3A_12, %dma_wait3A_13] : memref<1000x64xf32, #tpu.memory_space<hbm>> -> memref<1000x64xf32, #tpu.memory_space<hbm>>
    tpu.wait_indirect_dma semaphore(%arg18 : memref<!tpu.dma_semaphore, #tpu.memory_space<semaphore_mem>>) src(%dma_wait3A_14 : memref<1000x64xf32, #tpu.memory_space<hbm>>) dst(%arg12 : memref<512x64xf32, #tpu.memory_space<vmem>>)
    tpu.wait_dma2 semaphore(%arg19 : memref<!tpu.dma_semaphore, #tpu.memory_space<semaphore_mem>>) src(%arg5 : memref<1000xf32, #tpu.memory_space<hbm>>) dst(%arg9 : memref<1000xf32, #tpu.memory_space<vmem>>)
    tpu.wait_dma2 semaphore(%arg20 : memref<!tpu.dma_semaphore, #tpu.memory_space<semaphore_mem>>) src(%arg6 : memref<1000xf32, #tpu.memory_space<hbm>>) dst(%arg10 : memref<1000xf32, #tpu.memory_space<vmem>>)
    %iota3A = tpu.iota {dimensions = array<i32: 0>} : vector<16xi32>
    %mul3A_15 = arith.constant 17 : i32
    %mul3A_16 = vector.broadcast %mul3A_15 : i32 to vector<16xi32>
    %mul3A_17 = arith.muli %iota3A, %mul3A_16 : vector<16xi32>
    %scan3A = arith.constant 0 : i32
    %scan3A_18 = arith.constant 0 : i32
    %scan3A_19 = arith.constant 32 : i32
    %scan3A_20 = arith.addi %scan3A_18, %scan3A_19 : i32
    %scan3A_21 = arith.constant 1 : i32
    scf.for %scan3A_23 = %scan3A_18 to %scan3A_20 step %scan3A_21  : i32 {
      %mul3A_24 = arith.constant 16 : i32
      %mul3A_25 = arith.muli %scan3A_23, %mul3A_24 : i32
      %get3A = arith.index_cast %mul3A_25 : i32 to index
      %get3A_26 = tpu.vector_load %arg13[%get3A] {strides = array<i32>} : memref<512xi32, #tpu.memory_space<vmem>>, vector<16xi32>,
      %add3A_27 = arith.constant 0 : i32
      %add3A_28 = arith.addi %mul3A_25, %add3A_27 : i32
      %get3A_29 = arith.index_cast %add3A_28 : i32 to index
      %get3A_30 = arith.constant 0 : index
      %get3A_31 = tpu.vector_load %arg11[%get3A_29, %get3A_30] {strides = array<i32>} : memref<512x64xf32, #tpu.memory_space<vmem>>, vector<16xf32>,
      %get3A_32 = arith.index_cast %add3A_28 : i32 to index
      %get3A_33 = arith.constant 0 : index
      %get3A_34 = tpu.vector_load %arg12[%get3A_32, %get3A_33] {strides = array<i32>} : memref<512x64xf32, #tpu.memory_space<vmem>>, vector<16xf32>,
      %mul3A_35 = arith.mulf %get3A_31, %get3A_34 : vector<16xf32>
      %get3A_36 = arith.index_cast %add3A_28 : i32 to index
      %get3A_37 = arith.constant 16 : index
      %get3A_38 = tpu.vector_load %arg11[%get3A_36, %get3A_37] {strides = array<i32>} : memref<512x64xf32, #tpu.memory_space<vmem>>, vector<16xf32>,
      %get3A_39 = arith.index_cast %add3A_28 : i32 to index
      %get3A_40 = arith.constant 16 : index
      %get3A_41 = tpu.vector_load %arg12[%get3A_39, %get3A_40] {strides = array<i32>} : memref<512x64xf32, #tpu.memory_space<vmem>>, vector<16xf32>,
      %mul3A_42 = arith.mulf %get3A_38, %get3A_41 : vector<16xf32>
      %add3A_43 = arith.addf %mul3A_35, %mul3A_42 : vector<16xf32>
      %get3A_44 = arith.index_cast %add3A_28 : i32 to index
      %get3A_45 = arith.constant 32 : index
      %get3A_46 = tpu.vector_load %arg11[%get3A_44, %get3A_45] {strides = array<i32>} : memref<512x64xf32, #tpu.memory_space<vmem>>, vector<16xf32>,
      %get3A_47 = arith.index_cast %add3A_28 : i32 to index
      %get3A_48 = arith.constant 32 : index
      %get3A_49 = tpu.vector_load %arg12[%get3A_47, %get3A_48] {strides = array<i32>} : memref<512x64xf32, #tpu.memory_space<vmem>>, vector<16xf32>,
      %mul3A_50 = arith.mulf %get3A_46, %get3A_49 : vector<16xf32>
      %get3A_51 = arith.index_cast %add3A_28 : i32 to index
      %get3A_52 = arith.constant 48 : index
      %get3A_53 = tpu.vector_load %arg11[%get3A_51, %get3A_52] {strides = array<i32>} : memref<512x64xf32, #tpu.memory_space<vmem>>, vector<16xf32>,
      %get3A_54 = arith.index_cast %add3A_28 : i32 to index
      %get3A_55 = arith.constant 48 : index
      %get3A_56 = tpu.vector_load %arg12[%get3A_54, %get3A_55] {strides = array<i32>} : memref<512x64xf32, #tpu.memory_space<vmem>>, vector<16xf32>,
      %mul3A_57 = arith.mulf %get3A_53, %get3A_56 : vector<16xf32>
      %add3A_58 = arith.addf %mul3A_50, %mul3A_57 : vector<16xf32>
      %add3A_59 = arith.addf %add3A_43, %add3A_58 : vector<16xf32>
      %add3A_60 = arith.constant 0 : i32
      %add3A_61 = vector.broadcast %add3A_60 : i32 to vector<16xi32>
      %add3A_62 = arith.addi %mul3A_17, %add3A_61 : vector<16xi32>
      tpu.vector_store_idx %arg16[%add3A_62], %add3A_59 : memref<272xf32, #tpu.memory_space<vmem>>[vector<16xi32>], vector<16xf32>,
      %add3A_63 = arith.constant 1 : i32
      %add3A_64 = arith.addi %mul3A_25, %add3A_63 : i32
      %get3A_65 = arith.index_cast %add3A_64 : i32 to index
      %get3A_66 = arith.constant 0 : index
      %get3A_67 = tpu.vector_load %arg11[%get3A_65, %get3A_66] {strides = array<i32>} : memref<512x64xf32, #tpu.memory_space<vmem>>, vector<16xf32>,
      %get3A_68 = arith.index_cast %add3A_64 : i32 to index
      %get3A_69 = arith.constant 0 : index
      %get3A_70 = tpu.vector_load %arg12[%get3A_68, %get3A_69] {strides = array<i32>} : memref<512x64xf32, #tpu.memory_space<vmem>>, vector<16xf32>,
      %mul3A_71 = arith.mulf %get3A_67, %get3A_70 : vector<16xf32>
      %get3A_72 = arith.index_cast %add3A_64 : i32 to index
      %get3A_73 = arith.constant 16 : index
      %get3A_74 = tpu.vector_load %arg11[%get3A_72, %get3A_73] {strides = array<i32>} : memref<512x64xf32, #tpu.memory_space<vmem>>, vector<16xf32>,
      %get3A_75 = arith.index_cast %add3A_64 : i32 to index
      %get3A_76 = arith.constant 16 : index
      %get3A_77 = tpu.vector_load %arg12[%get3A_75, %get3A_76] {strides = array<i32>} : memref<512x64xf32, #tpu.memory_space<vmem>>, vector<16xf32>,
      %mul3A_78 = arith.mulf %get3A_74, %get3A_77 : vector<16xf32>
      %add3A_79 = arith.addf %mul3A_71, %mul3A_78 : vector<16xf32>
      %get3A_80 = arith.index_cast %add3A_64 : i32 to index
      %get3A_81 = arith.constant 32 : index
      %get3A_82 = tpu.vector_load %arg11[%get3A_80, %get3A_81] {strides = array<i32>} : memref<512x64xf32, #tpu.memory_space<vmem>>, vector<16xf32>,
      %get3A_83 = arith.index_cast %add3A_64 : i32 to index
      %get3A_84 = arith.constant 32 : index
      %get3A_85 = tpu.vector_load %arg12[%get3A_83, %get3A_84] {strides = array<i32>} : memref<512x64xf32, #tpu.memory_space<vmem>>, vector<16xf32>,
      %mul3A_86 = arith.mulf %get3A_82, %get3A_85 : vector<16xf32>
      %get3A_87 = arith.index_cast %add3A_64 : i32 to index
      %get3A_88 = arith.constant 48 : index
      %get3A_89 = tpu.vector_load %arg11[%get3A_87, %get3A_88] {strides = array<i32>} : memref<512x64xf32, #tpu.memory_space<vmem>>, vector<16xf32>,
      %get3A_90 = arith.index_cast %add3A_64 : i32 to index
      %get3A_91 = arith.constant 48 : index
      %get3A_92 = tpu.vector_load %arg12[%get3A_90, %get3A_91] {strides = array<i32>} : memref<512x64xf32, #tpu.memory_space<vmem>>, vector<16xf32>,
      %mul3A_93 = arith.mulf %get3A_89, %get3A_92 : vector<16xf32>
      %add3A_94 = arith.addf %mul3A_86, %mul3A_93 : vector<16xf32>
      %add3A_95 = arith.addf %add3A_79, %add3A_94 : vector<16xf32>
      %add3A_96 = arith.constant 1 : i32
      %add3A_97 = vector.broadcast %add3A_96 : i32 to vector<16xi32>
      %add3A_98 = arith.addi %mul3A_17, %add3A_97 : vector<16xi32>
      tpu.vector_store_idx %arg16[%add3A_98], %add3A_95 : memref<272xf32, #tpu.memory_space<vmem>>[vector<16xi32>], vector<16xf32>,
      %add3A_99 = arith.constant 2 : i32
      %add3A_100 = arith.addi %mul3A_25, %add3A_99 : i32
      %get3A_101 = arith.index_cast %add3A_100 : i32 to index
      %get3A_102 = arith.constant 0 : index
      %get3A_103 = tpu.vector_load %arg11[%get3A_101, %get3A_102] {strides = array<i32>} : memref<512x64xf32, #tpu.memory_space<vmem>>, vector<16xf32>,
      %get3A_104 = arith.index_cast %add3A_100 : i32 to index
      %get3A_105 = arith.constant 0 : index
      %get3A_106 = tpu.vector_load %arg12[%get3A_104, %get3A_105] {strides = array<i32>} : memref<512x64xf32, #tpu.memory_space<vmem>>, vector<16xf32>,
      %mul3A_107 = arith.mulf %get3A_103, %get3A_106 : vector<16xf32>
      %get3A_108 = arith.index_cast %add3A_100 : i32 to index
      %get3A_109 = arith.constant 16 : index
      %get3A_110 = tpu.vector_load %arg11[%get3A_108, %get3A_109] {strides = array<i32>} : memref<512x64xf32, #tpu.memory_space<vmem>>, vector<16xf32>,
      %get3A_111 = arith.index_cast %add3A_100 : i32 to index
      %get3A_112 = arith.constant 16 : index
      %get3A_113 = tpu.vector_load %arg12[%get3A_111, %get3A_112] {strides = array<i32>} : memref<512x64xf32, #tpu.memory_space<vmem>>, vector<16xf32>,
      %mul3A_114 = arith.mulf %get3A_110, %get3A_113 : vector<16xf32>
      %add3A_115 = arith.addf %mul3A_107, %mul3A_114 : vector<16xf32>
      %get3A_116 = arith.index_cast %add3A_100 : i32 to index
      %get3A_117 = arith.constant 32 : index
      %get3A_118 = tpu.vector_load %arg11[%get3A_116, %get3A_117] {strides = array<i32>} : memref<512x64xf32, #tpu.memory_space<vmem>>, vector<16xf32>,
      %get3A_119 = arith.index_cast %add3A_100 : i32 to index
      %get3A_120 = arith.constant 32 : index
      %get3A_121 = tpu.vector_load %arg12[%get3A_119, %get3A_120] {strides = array<i32>} : memref<512x64xf32, #tpu.memory_space<vmem>>, vector<16xf32>,
      %mul3A_122 = arith.mulf %get3A_118, %get3A_121 : vector<16xf32>
      %get3A_123 = arith.index_cast %add3A_100 : i32 to index
      %get3A_124 = arith.constant 48 : index
      %get3A_125 = tpu.vector_load %arg11[%get3A_123, %get3A_124] {strides = array<i32>} : memref<512x64xf32, #tpu.memory_space<vmem>>, vector<16xf32>,
      %get3A_126 = arith.index_cast %add3A_100 : i32 to index
      %get3A_127 = arith.constant 48 : index
      %get3A_128 = tpu.vector_load %arg12[%get3A_126, %get3A_127] {strides = array<i32>} : memref<512x64xf32, #tpu.memory_space<vmem>>, vector<16xf32>,
      %mul3A_129 = arith.mulf %get3A_125, %get3A_128 : vector<16xf32>
      %add3A_130 = arith.addf %mul3A_122, %mul3A_129 : vector<16xf32>
      %add3A_131 = arith.addf %add3A_115, %add3A_130 : vector<16xf32>
      %add3A_132 = arith.constant 2 : i32
      %add3A_133 = vector.broadcast %add3A_132 : i32 to vector<16xi32>
      %add3A_134 = arith.addi %mul3A_17, %add3A_133 : vector<16xi32>
      tpu.vector_store_idx %arg16[%add3A_134], %add3A_131 : memref<272xf32, #tpu.memory_space<vmem>>[vector<16xi32>], vector<16xf32>,
      %add3A_135 = arith.constant 3 : i32
      %add3A_136 = arith.addi %mul3A_25, %add3A_135 : i32
      %get3A_137 = arith.index_cast %add3A_136 : i32 to index
      %get3A_138 = arith.constant 0 : index
      %get3A_139 = tpu.vector_load %arg11[%get3A_137, %get3A_138] {strides = array<i32>} : memref<512x64xf32, #tpu.memory_space<vmem>>, vector<16xf32>,
      %get3A_140 = arith.index_cast %add3A_136 : i32 to index
      %get3A_141 = arith.constant 0 : index
      %get3A_142 = tpu.vector_load %arg12[%get3A_140, %get3A_141] {strides = array<i32>} : memref<512x64xf32, #tpu.memory_space<vmem>>, vector<16xf32>,
      %mul3A_143 = arith.mulf %get3A_139, %get3A_142 : vector<16xf32>
      %get3A_144 = arith.index_cast %add3A_136 : i32 to index
      %get3A_145 = arith.constant 16 : index
      %get3A_146 = tpu.vector_load %arg11[%get3A_144, %get3A_145] {strides = array<i32>} : memref<512x64xf32, #tpu.memory_space<vmem>>, vector<16xf32>,
      %get3A_147 = arith.index_cast %add3A_136 : i32 to index
      %get3A_148 = arith.constant 16 : index
      %get3A_149 = tpu.vector_load %arg12[%get3A_147, %get3A_148] {strides = array<i32>} : memref<512x64xf32, #tpu.memory_space<vmem>>, vector<16xf32>,
      %mul3A_150 = arith.mulf %get3A_146, %get3A_149 : vector<16xf32>
      %add3A_151 = arith.addf %mul3A_143, %mul3A_150 : vector<16xf32>
      %get3A_152 = arith.index_cast %add3A_136 : i32 to index
      %get3A_153 = arith.constant 32 : index
      %get3A_154 = tpu.vector_load %arg11[%get3A_152, %get3A_153] {strides = array<i32>} : memref<512x64xf32, #tpu.memory_space<vmem>>, vector<16xf32>,
      %get3A_155 = arith.index_cast %add3A_136 : i32 to index
      %get3A_156 = arith.constant 32 : index
      %get3A_157 = tpu.vector_load %arg12[%get3A_155, %get3A_156] {strides = array<i32>} : memref<512x64xf32, #tpu.memory_space<vmem>>, vector<16xf32>,
      %mul3A_158 = arith.mulf %get3A_154, %get3A_157 : vector<16xf32>
      %get3A_159 = arith.index_cast %add3A_136 : i32 to index
      %get3A_160 = arith.constant 48 : index
      %get3A_161 = tpu.vector_load %arg11[%get3A_159, %get3A_160] {strides = array<i32>} : memref<512x64xf32, #tpu.memory_space<vmem>>, vector<16xf32>,
      %get3A_162 = arith.index_cast %add3A_136 : i32 to index
      %get3A_163 = arith.constant 48 : index
      %get3A_164 = tpu.vector_load %arg12[%get3A_162, %get3A_163] {strides = array<i32>} : memref<512x64xf32, #tpu.memory_space<vmem>>, vector<16xf32>,
      %mul3A_165 = arith.mulf %get3A_161, %get3A_164 : vector<16xf32>
      %add3A_166 = arith.addf %mul3A_158, %mul3A_165 : vector<16xf32>
      %add3A_167 = arith.addf %add3A_151, %add3A_166 : vector<16xf32>
      %add3A_168 = arith.constant 3 : i32
      %add3A_169 = vector.broadcast %add3A_168 : i32 to vector<16xi32>
      %add3A_170 = arith.addi %mul3A_17, %add3A_169 : vector<16xi32>
      tpu.vector_store_idx %arg16[%add3A_170], %add3A_167 : memref<272xf32, #tpu.memory_space<vmem>>[vector<16xi32>], vector<16xf32>,
      %add3A_171 = arith.constant 4 : i32
      %add3A_172 = arith.addi %mul3A_25, %add3A_171 : i32
      %get3A_173 = arith.index_cast %add3A_172 : i32 to index
      %get3A_174 = arith.constant 0 : index
      %get3A_175 = tpu.vector_load %arg11[%get3A_173, %get3A_174] {strides = array<i32>} : memref<512x64xf32, #tpu.memory_space<vmem>>, vector<16xf32>,
      %get3A_176 = arith.index_cast %add3A_172 : i32 to index
      %get3A_177 = arith.constant 0 : index
      %get3A_178 = tpu.vector_load %arg12[%get3A_176, %get3A_177] {strides = array<i32>} : memref<512x64xf32, #tpu.memory_space<vmem>>, vector<16xf32>,
      %mul3A_179 = arith.mulf %get3A_175, %get3A_178 : vector<16xf32>
      %get3A_180 = arith.index_cast %add3A_172 : i32 to index
      %get3A_181 = arith.constant 16 : index
      %get3A_182 = tpu.vector_load %arg11[%get3A_180, %get3A_181] {strides = array<i32>} : memref<512x64xf32, #tpu.memory_space<vmem>>, vector<16xf32>,
      %get3A_183 = arith.index_cast %add3A_172 : i32 to index
      %get3A_184 = arith.constant 16 : index
      %get3A_185 = tpu.vector_load %arg12[%get3A_183, %get3A_184] {strides = array<i32>} : memref<512x64xf32, #tpu.memory_space<vmem>>, vector<16xf32>,
      %mul3A_186 = arith.mulf %get3A_182, %get3A_185 : vector<16xf32>
      %add3A_187 = arith.addf %mul3A_179, %mul3A_186 : vector<16xf32>
      %get3A_188 = arith.index_cast %add3A_172 : i32 to index
      %get3A_189 = arith.constant 32 : index
      %get3A_190 = tpu.vector_load %arg11[%get3A_188, %get3A_189] {strides = array<i32>} : memref<512x64xf32, #tpu.memory_space<vmem>>, vector<16xf32>,
      %get3A_191 = arith.index_cast %add3A_172 : i32 to index
      %get3A_192 = arith.constant 32 : index
      %get3A_193 = tpu.vector_load %arg12[%get3A_191, %get3A_192] {strides = array<i32>} : memref<512x64xf32, #tpu.memory_space<vmem>>, vector<16xf32>,
      %mul3A_194 = arith.mulf %get3A_190, %get3A_193 : vector<16xf32>
      %get3A_195 = arith.index_cast %add3A_172 : i32 to index
      %get3A_196 = arith.constant 48 : index
      %get3A_197 = tpu.vector_load %arg11[%get3A_195, %get3A_196] {strides = array<i32>} : memref<512x64xf32, #tpu.memory_space<vmem>>, vector<16xf32>,
      %get3A_198 = arith.index_cast %add3A_172 : i32 to index
      %get3A_199 = arith.constant 48 : index
      %get3A_200 = tpu.vector_load %arg12[%get3A_198, %get3A_199] {strides = array<i32>} : memref<512x64xf32, #tpu.memory_space<vmem>>, vector<16xf32>,
      %mul3A_201 = arith.mulf %get3A_197, %get3A_200 : vector<16xf32>
      %add3A_202 = arith.addf %mul3A_194, %mul3A_201 : vector<16xf32>
      %add3A_203 = arith.addf %add3A_187, %add3A_202 : vector<16xf32>
      %add3A_204 = arith.constant 4 : i32
      %add3A_205 = vector.broadcast %add3A_204 : i32 to vector<16xi32>
      %add3A_206 = arith.addi %mul3A_17, %add3A_205 : vector<16xi32>
      tpu.vector_store_idx %arg16[%add3A_206], %add3A_203 : memref<272xf32, #tpu.memory_space<vmem>>[vector<16xi32>], vector<16xf32>,
      %add3A_207 = arith.constant 5 : i32
      %add3A_208 = arith.addi %mul3A_25, %add3A_207 : i32
      %get3A_209 = arith.index_cast %add3A_208 : i32 to index
      %get3A_210 = arith.constant 0 : index
      %get3A_211 = tpu.vector_load %arg11[%get3A_209, %get3A_210] {strides = array<i32>} : memref<512x64xf32, #tpu.memory_space<vmem>>, vector<16xf32>,
      %get3A_212 = arith.index_cast %add3A_208 : i32 to index
      %get3A_213 = arith.constant 0 : index
      %get3A_214 = tpu.vector_load %arg12[%get3A_212, %get3A_213] {strides = array<i32>} : memref<512x64xf32, #tpu.memory_space<vmem>>, vector<16xf32>,
      %mul3A_215 = arith.mulf %get3A_211, %get3A_214 : vector<16xf32>
      %get3A_216 = arith.index_cast %add3A_208 : i32 to index
      %get3A_217 = arith.constant 16 : index
      %get3A_218 = tpu.vector_load %arg11[%get3A_216, %get3A_217] {strides = array<i32>} : memref<512x64xf32, #tpu.memory_space<vmem>>, vector<16xf32>,
      %get3A_219 = arith.index_cast %add3A_208 : i32 to index
      %get3A_220 = arith.constant 16 : index
      %get3A_221 = tpu.vector_load %arg12[%get3A_219, %get3A_220] {strides = array<i32>} : memref<512x64xf32, #tpu.memory_space<vmem>>, vector<16xf32>,
      %mul3A_222 = arith.mulf %get3A_218, %get3A_221 : vector<16xf32>
      %add3A_223 = arith.addf %mul3A_215, %mul3A_222 : vector<16xf32>
      %get3A_224 = arith.index_cast %add3A_208 : i32 to index
      %get3A_225 = arith.constant 32 : index
      %get3A_226 = tpu.vector_load %arg11[%get3A_224, %get3A_225] {strides = array<i32>} : memref<512x64xf32, #tpu.memory_space<vmem>>, vector<16xf32>,
      %get3A_227 = arith.index_cast %add3A_208 : i32 to index
      %get3A_228 = arith.constant 32 : index
      %get3A_229 = tpu.vector_load %arg12[%get3A_227, %get3A_228] {strides = array<i32>} : memref<512x64xf32, #tpu.memory_space<vmem>>, vector<16xf32>,
      %mul3A_230 = arith.mulf %get3A_226, %get3A_229 : vector<16xf32>
      %get3A_231 = arith.index_cast %add3A_208 : i32 to index
      %get3A_232 = arith.constant 48 : index
      %get3A_233 = tpu.vector_load %arg11[%get3A_231, %get3A_232] {strides = array<i32>} : memref<512x64xf32, #tpu.memory_space<vmem>>, vector<16xf32>,
      %get3A_234 = arith.index_cast %add3A_208 : i32 to index
      %get3A_235 = arith.constant 48 : index
      %get3A_236 = tpu.vector_load %arg12[%get3A_234, %get3A_235] {strides = array<i32>} : memref<512x64xf32, #tpu.memory_space<vmem>>, vector<16xf32>,
      %mul3A_237 = arith.mulf %get3A_233, %get3A_236 : vector<16xf32>
      %add3A_238 = arith.addf %mul3A_230, %mul3A_237 : vector<16xf32>
      %add3A_239 = arith.addf %add3A_223, %add3A_238 : vector<16xf32>
      %add3A_240 = arith.constant 5 : i32
      %add3A_241 = vector.broadcast %add3A_240 : i32 to vector<16xi32>
      %add3A_242 = arith.addi %mul3A_17, %add3A_241 : vector<16xi32>
      tpu.vector_store_idx %arg16[%add3A_242], %add3A_239 : memref<272xf32, #tpu.memory_space<vmem>>[vector<16xi32>], vector<16xf32>,
      %add3A_243 = arith.constant 6 : i32
      %add3A_244 = arith.addi %mul3A_25, %add3A_243 : i32
      %get3A_245 = arith.index_cast %add3A_244 : i32 to index
      %get3A_246 = arith.constant 0 : index
      %get3A_247 = tpu.vector_load %arg11[%get3A_245, %get3A_246] {strides = array<i32>} : memref<512x64xf32, #tpu.memory_space<vmem>>, vector<16xf32>,
      %get3A_248 = arith.index_cast %add3A_244 : i32 to index
      %get3A_249 = arith.constant 0 : index
      %get3A_250 = tpu.vector_load %arg12[%get3A_248, %get3A_249] {strides = array<i32>} : memref<512x64xf32, #tpu.memory_space<vmem>>, vector<16xf32>,
      %mul3A_251 = arith.mulf %get3A_247, %get3A_250 : vector<16xf32>
      %get3A_252 = arith.index_cast %add3A_244 : i32 to index
      %get3A_253 = arith.constant 16 : index
      %get3A_254 = tpu.vector_load %arg11[%get3A_252, %get3A_253] {strides = array<i32>} : memref<512x64xf32, #tpu.memory_space<vmem>>, vector<16xf32>,
      %get3A_255 = arith.index_cast %add3A_244 : i32 to index
      %get3A_256 = arith.constant 16 : index
      %get3A_257 = tpu.vector_load %arg12[%get3A_255, %get3A_256] {strides = array<i32>} : memref<512x64xf32, #tpu.memory_space<vmem>>, vector<16xf32>,
      %mul3A_258 = arith.mulf %get3A_254, %get3A_257 : vector<16xf32>
      %add3A_259 = arith.addf %mul3A_251, %mul3A_258 : vector<16xf32>
      %get3A_260 = arith.index_cast %add3A_244 : i32 to index
      %get3A_261 = arith.constant 32 : index
      %get3A_262 = tpu.vector_load %arg11[%get3A_260, %get3A_261] {strides = array<i32>} : memref<512x64xf32, #tpu.memory_space<vmem>>, vector<16xf32>,
      %get3A_263 = arith.index_cast %add3A_244 : i32 to index
      %get3A_264 = arith.constant 32 : index
      %get3A_265 = tpu.vector_load %arg12[%get3A_263, %get3A_264] {strides = array<i32>} : memref<512x64xf32, #tpu.memory_space<vmem>>, vector<16xf32>,
      %mul3A_266 = arith.mulf %get3A_262, %get3A_265 : vector<16xf32>
      %get3A_267 = arith.index_cast %add3A_244 : i32 to index
      %get3A_268 = arith.constant 48 : index
      %get3A_269 = tpu.vector_load %arg11[%get3A_267, %get3A_268] {strides = array<i32>} : memref<512x64xf32, #tpu.memory_space<vmem>>, vector<16xf32>,
      %get3A_270 = arith.index_cast %add3A_244 : i32 to index
      %get3A_271 = arith.constant 48 : index
      %get3A_272 = tpu.vector_load %arg12[%get3A_270, %get3A_271] {strides = array<i32>} : memref<512x64xf32, #tpu.memory_space<vmem>>, vector<16xf32>,
      %mul3A_273 = arith.mulf %get3A_269, %get3A_272 : vector<16xf32>
      %add3A_274 = arith.addf %mul3A_266, %mul3A_273 : vector<16xf32>
      %add3A_275 = arith.addf %add3A_259, %add3A_274 : vector<16xf32>
      %add3A_276 = arith.constant 6 : i32
      %add3A_277 = vector.broadcast %add3A_276 : i32 to vector<16xi32>
      %add3A_278 = arith.addi %mul3A_17, %add3A_277 : vector<16xi32>
      tpu.vector_store_idx %arg16[%add3A_278], %add3A_275 : memref<272xf32, #tpu.memory_space<vmem>>[vector<16xi32>], vector<16xf32>,
      %add3A_279 = arith.constant 7 : i32
      %add3A_280 = arith.addi %mul3A_25, %add3A_279 : i32
      %get3A_281 = arith.index_cast %add3A_280 : i32 to index
      %get3A_282 = arith.constant 0 : index
      %get3A_283 = tpu.vector_load %arg11[%get3A_281, %get3A_282] {strides = array<i32>} : memref<512x64xf32, #tpu.memory_space<vmem>>, vector<16xf32>,
      %get3A_284 = arith.index_cast %add3A_280 : i32 to index
      %get3A_285 = arith.constant 0 : index
      %get3A_286 = tpu.vector_load %arg12[%get3A_284, %get3A_285] {strides = array<i32>} : memref<512x64xf32, #tpu.memory_space<vmem>>, vector<16xf32>,
      %mul3A_287 = arith.mulf %get3A_283, %get3A_286 : vector<16xf32>
      %get3A_288 = arith.index_cast %add3A_280 : i32 to index
      %get3A_289 = arith.constant 16 : index
      %get3A_290 = tpu.vector_load %arg11[%get3A_288, %get3A_289] {strides = array<i32>} : memref<512x64xf32, #tpu.memory_space<vmem>>, vector<16xf32>,
      %get3A_291 = arith.index_cast %add3A_280 : i32 to index
      %get3A_292 = arith.constant 16 : index
      %get3A_293 = tpu.vector_load %arg12[%get3A_291, %get3A_292] {strides = array<i32>} : memref<512x64xf32, #tpu.memory_space<vmem>>, vector<16xf32>,
      %mul3A_294 = arith.mulf %get3A_290, %get3A_293 : vector<16xf32>
      %add3A_295 = arith.addf %mul3A_287, %mul3A_294 : vector<16xf32>
      %get3A_296 = arith.index_cast %add3A_280 : i32 to index
      %get3A_297 = arith.constant 32 : index
      %get3A_298 = tpu.vector_load %arg11[%get3A_296, %get3A_297] {strides = array<i32>} : memref<512x64xf32, #tpu.memory_space<vmem>>, vector<16xf32>,
      %get3A_299 = arith.index_cast %add3A_280 : i32 to index
      %get3A_300 = arith.constant 32 : index
      %get3A_301 = tpu.vector_load %arg12[%get3A_299, %get3A_300] {strides = array<i32>} : memref<512x64xf32, #tpu.memory_space<vmem>>, vector<16xf32>,
      %mul3A_302 = arith.mulf %get3A_298, %get3A_301 : vector<16xf32>
      %get3A_303 = arith.index_cast %add3A_280 : i32 to index
      %get3A_304 = arith.constant 48 : index
      %get3A_305 = tpu.vector_load %arg11[%get3A_303, %get3A_304] {strides = array<i32>} : memref<512x64xf32, #tpu.memory_space<vmem>>, vector<16xf32>,
      %get3A_306 = arith.index_cast %add3A_280 : i32 to index
      %get3A_307 = arith.constant 48 : index
      %get3A_308 = tpu.vector_load %arg12[%get3A_306, %get3A_307] {strides = array<i32>} : memref<512x64xf32, #tpu.memory_space<vmem>>, vector<16xf32>,
      %mul3A_309 = arith.mulf %get3A_305, %get3A_308 : vector<16xf32>
      %add3A_310 = arith.addf %mul3A_302, %mul3A_309 : vector<16xf32>
      %add3A_311 = arith.addf %add3A_295, %add3A_310 : vector<16xf32>
      %add3A_312 = arith.constant 7 : i32
      %add3A_313 = vector.broadcast %add3A_312 : i32 to vector<16xi32>
      %add3A_314 = arith.addi %mul3A_17, %add3A_313 : vector<16xi32>
      tpu.vector_store_idx %arg16[%add3A_314], %add3A_311 : memref<272xf32, #tpu.memory_space<vmem>>[vector<16xi32>], vector<16xf32>,
      %add3A_315 = arith.constant 8 : i32
      %add3A_316 = arith.addi %mul3A_25, %add3A_315 : i32
      %get3A_317 = arith.index_cast %add3A_316 : i32 to index
      %get3A_318 = arith.constant 0 : index
      %get3A_319 = tpu.vector_load %arg11[%get3A_317, %get3A_318] {strides = array<i32>} : memref<512x64xf32, #tpu.memory_space<vmem>>, vector<16xf32>,
      %get3A_320 = arith.index_cast %add3A_316 : i32 to index
      %get3A_321 = arith.constant 0 : index
      %get3A_322 = tpu.vector_load %arg12[%get3A_320, %get3A_321] {strides = array<i32>} : memref<512x64xf32, #tpu.memory_space<vmem>>, vector<16xf32>,
      %mul3A_323 = arith.mulf %get3A_319, %get3A_322 : vector<16xf32>
      %get3A_324 = arith.index_cast %add3A_316 : i32 to index
      %get3A_325 = arith.constant 16 : index
      %get3A_326 = tpu.vector_load %arg11[%get3A_324, %get3A_325] {strides = array<i32>} : memref<512x64xf32, #tpu.memory_space<vmem>>, vector<16xf32>,
      %get3A_327 = arith.index_cast %add3A_316 : i32 to index
      %get3A_328 = arith.constant 16 : index
      %get3A_329 = tpu.vector_load %arg12[%get3A_327, %get3A_328] {strides = array<i32>} : memref<512x64xf32, #tpu.memory_space<vmem>>, vector<16xf32>,
      %mul3A_330 = arith.mulf %get3A_326, %get3A_329 : vector<16xf32>
      %add3A_331 = arith.addf %mul3A_323, %mul3A_330 : vector<16xf32>
      %get3A_332 = arith.index_cast %add3A_316 : i32 to index
      %get3A_333 = arith.constant 32 : index
      %get3A_334 = tpu.vector_load %arg11[%get3A_332, %get3A_333] {strides = array<i32>} : memref<512x64xf32, #tpu.memory_space<vmem>>, vector<16xf32>,
      %get3A_335 = arith.index_cast %add3A_316 : i32 to index
      %get3A_336 = arith.constant 32 : index
      %get3A_337 = tpu.vector_load %arg12[%get3A_335, %get3A_336] {strides = array<i32>} : memref<512x64xf32, #tpu.memory_space<vmem>>, vector<16xf32>,
      %mul3A_338 = arith.mulf %get3A_334, %get3A_337 : vector<16xf32>
      %get3A_339 = arith.index_cast %add3A_316 : i32 to index
      %get3A_340 = arith.constant 48 : index
      %get3A_341 = tpu.vector_load %arg11[%get3A_339, %get3A_340] {strides = array<i32>} : memref<512x64xf32, #tpu.memory_space<vmem>>, vector<16xf32>,
      %get3A_342 = arith.index_cast %add3A_316 : i32 to index
      %get3A_343 = arith.constant 48 : index
      %get3A_344 = tpu.vector_load %arg12[%get3A_342, %get3A_343] {strides = array<i32>} : memref<512x64xf32, #tpu.memory_space<vmem>>, vector<16xf32>,
      %mul3A_345 = arith.mulf %get3A_341, %get3A_344 : vector<16xf32>
      %add3A_346 = arith.addf %mul3A_338, %mul3A_345 : vector<16xf32>
      %add3A_347 = arith.addf %add3A_331, %add3A_346 : vector<16xf32>
      %add3A_348 = arith.constant 8 : i32
      %add3A_349 = vector.broadcast %add3A_348 : i32 to vector<16xi32>
      %add3A_350 = arith.addi %mul3A_17, %add3A_349 : vector<16xi32>
      tpu.vector_store_idx %arg16[%add3A_350], %add3A_347 : memref<272xf32, #tpu.memory_space<vmem>>[vector<16xi32>], vector<16xf32>,
      %add3A_351 = arith.constant 9 : i32
      %add3A_352 = arith.addi %mul3A_25, %add3A_351 : i32
      %get3A_353 = arith.index_cast %add3A_352 : i32 to index
      %get3A_354 = arith.constant 0 : index
      %get3A_355 = tpu.vector_load %arg11[%get3A_353, %get3A_354] {strides = array<i32>} : memref<512x64xf32, #tpu.memory_space<vmem>>, vector<16xf32>,
      %get3A_356 = arith.index_cast %add3A_352 : i32 to index
      %get3A_357 = arith.constant 0 : index
      %get3A_358 = tpu.vector_load %arg12[%get3A_356, %get3A_357] {strides = array<i32>} : memref<512x64xf32, #tpu.memory_space<vmem>>, vector<16xf32>,
      %mul3A_359 = arith.mulf %get3A_355, %get3A_358 : vector<16xf32>
      %get3A_360 = arith.index_cast %add3A_352 : i32 to index
      %get3A_361 = arith.constant 16 : index
      %get3A_362 = tpu.vector_load %arg11[%get3A_360, %get3A_361] {strides = array<i32>} : memref<512x64xf32, #tpu.memory_space<vmem>>, vector<16xf32>,
      %get3A_363 = arith.index_cast %add3A_352 : i32 to index
      %get3A_364 = arith.constant 16 : index
      %get3A_365 = tpu.vector_load %arg12[%get3A_363, %get3A_364] {strides = array<i32>} : memref<512x64xf32, #tpu.memory_space<vmem>>, vector<16xf32>,
      %mul3A_366 = arith.mulf %get3A_362, %get3A_365 : vector<16xf32>
      %add3A_367 = arith.addf %mul3A_359, %mul3A_366 : vector<16xf32>
      %get3A_368 = arith.index_cast %add3A_352 : i32 to index
      %get3A_369 = arith.constant 32 : index
      %get3A_370 = tpu.vector_load %arg11[%get3A_368, %get3A_369] {strides = array<i32>} : memref<512x64xf32, #tpu.memory_space<vmem>>, vector<16xf32>,
      %get3A_371 = arith.index_cast %add3A_352 : i32 to index
      %get3A_372 = arith.constant 32 : index
      %get3A_373 = tpu.vector_load %arg12[%get3A_371, %get3A_372] {strides = array<i32>} : memref<512x64xf32, #tpu.memory_space<vmem>>, vector<16xf32>,
      %mul3A_374 = arith.mulf %get3A_370, %get3A_373 : vector<16xf32>
      %get3A_375 = arith.index_cast %add3A_352 : i32 to index
      %get3A_376 = arith.constant 48 : index
      %get3A_377 = tpu.vector_load %arg11[%get3A_375, %get3A_376] {strides = array<i32>} : memref<512x64xf32, #tpu.memory_space<vmem>>, vector<16xf32>,
      %get3A_378 = arith.index_cast %add3A_352 : i32 to index
      %get3A_379 = arith.constant 48 : index
      %get3A_380 = tpu.vector_load %arg12[%get3A_378, %get3A_379] {strides = array<i32>} : memref<512x64xf32, #tpu.memory_space<vmem>>, vector<16xf32>,
      %mul3A_381 = arith.mulf %get3A_377, %get3A_380 : vector<16xf32>
      %add3A_382 = arith.addf %mul3A_374, %mul3A_381 : vector<16xf32>
      %add3A_383 = arith.addf %add3A_367, %add3A_382 : vector<16xf32>
      %add3A_384 = arith.constant 9 : i32
      %add3A_385 = vector.broadcast %add3A_384 : i32 to vector<16xi32>
      %add3A_386 = arith.addi %mul3A_17, %add3A_385 : vector<16xi32>
      tpu.vector_store_idx %arg16[%add3A_386], %add3A_383 : memref<272xf32, #tpu.memory_space<vmem>>[vector<16xi32>], vector<16xf32>,
      %add3A_387 = arith.constant 10 : i32
      %add3A_388 = arith.addi %mul3A_25, %add3A_387 : i32
      %get3A_389 = arith.index_cast %add3A_388 : i32 to index
      %get3A_390 = arith.constant 0 : index
      %get3A_391 = tpu.vector_load %arg11[%get3A_389, %get3A_390] {strides = array<i32>} : memref<512x64xf32, #tpu.memory_space<vmem>>, vector<16xf32>,
      %get3A_392 = arith.index_cast %add3A_388 : i32 to index
      %get3A_393 = arith.constant 0 : index
      %get3A_394 = tpu.vector_load %arg12[%get3A_392, %get3A_393] {strides = array<i32>} : memref<512x64xf32, #tpu.memory_space<vmem>>, vector<16xf32>,
      %mul3A_395 = arith.mulf %get3A_391, %get3A_394 : vector<16xf32>
      %get3A_396 = arith.index_cast %add3A_388 : i32 to index
      %get3A_397 = arith.constant 16 : index
      %get3A_398 = tpu.vector_load %arg11[%get3A_396, %get3A_397] {strides = array<i32>} : memref<512x64xf32, #tpu.memory_space<vmem>>, vector<16xf32>,
      %get3A_399 = arith.index_cast %add3A_388 : i32 to index
      %get3A_400 = arith.constant 16 : index
      %get3A_401 = tpu.vector_load %arg12[%get3A_399, %get3A_400] {strides = array<i32>} : memref<512x64xf32, #tpu.memory_space<vmem>>, vector<16xf32>,
      %mul3A_402 = arith.mulf %get3A_398, %get3A_401 : vector<16xf32>
      %add3A_403 = arith.addf %mul3A_395, %mul3A_402 : vector<16xf32>
      %get3A_404 = arith.index_cast %add3A_388 : i32 to index
      %get3A_405 = arith.constant 32 : index
      %get3A_406 = tpu.vector_load %arg11[%get3A_404, %get3A_405] {strides = array<i32>} : memref<512x64xf32, #tpu.memory_space<vmem>>, vector<16xf32>,
      %get3A_407 = arith.index_cast %add3A_388 : i32 to index
      %get3A_408 = arith.constant 32 : index
      %get3A_409 = tpu.vector_load %arg12[%get3A_407, %get3A_408] {strides = array<i32>} : memref<512x64xf32, #tpu.memory_space<vmem>>, vector<16xf32>,
      %mul3A_410 = arith.mulf %get3A_406, %get3A_409 : vector<16xf32>
      %get3A_411 = arith.index_cast %add3A_388 : i32 to index
      %get3A_412 = arith.constant 48 : index
      %get3A_413 = tpu.vector_load %arg11[%get3A_411, %get3A_412] {strides = array<i32>} : memref<512x64xf32, #tpu.memory_space<vmem>>, vector<16xf32>,
      %get3A_414 = arith.index_cast %add3A_388 : i32 to index
      %get3A_415 = arith.constant 48 : index
      %get3A_416 = tpu.vector_load %arg12[%get3A_414, %get3A_415] {strides = array<i32>} : memref<512x64xf32, #tpu.memory_space<vmem>>, vector<16xf32>,
      %mul3A_417 = arith.mulf %get3A_413, %get3A_416 : vector<16xf32>
      %add3A_418 = arith.addf %mul3A_410, %mul3A_417 : vector<16xf32>
      %add3A_419 = arith.addf %add3A_403, %add3A_418 : vector<16xf32>
      %add3A_420 = arith.constant 10 : i32
      %add3A_421 = vector.broadcast %add3A_420 : i32 to vector<16xi32>
      %add3A_422 = arith.addi %mul3A_17, %add3A_421 : vector<16xi32>
      tpu.vector_store_idx %arg16[%add3A_422], %add3A_419 : memref<272xf32, #tpu.memory_space<vmem>>[vector<16xi32>], vector<16xf32>,
      %add3A_423 = arith.constant 11 : i32
      %add3A_424 = arith.addi %mul3A_25, %add3A_423 : i32
      %get3A_425 = arith.index_cast %add3A_424 : i32 to index
      %get3A_426 = arith.constant 0 : index
      %get3A_427 = tpu.vector_load %arg11[%get3A_425, %get3A_426] {strides = array<i32>} : memref<512x64xf32, #tpu.memory_space<vmem>>, vector<16xf32>,
      %get3A_428 = arith.index_cast %add3A_424 : i32 to index
      %get3A_429 = arith.constant 0 : index
      %get3A_430 = tpu.vector_load %arg12[%get3A_428, %get3A_429] {strides = array<i32>} : memref<512x64xf32, #tpu.memory_space<vmem>>, vector<16xf32>,
      %mul3A_431 = arith.mulf %get3A_427, %get3A_430 : vector<16xf32>
      %get3A_432 = arith.index_cast %add3A_424 : i32 to index
      %get3A_433 = arith.constant 16 : index
      %get3A_434 = tpu.vector_load %arg11[%get3A_432, %get3A_433] {strides = array<i32>} : memref<512x64xf32, #tpu.memory_space<vmem>>, vector<16xf32>,
      %get3A_435 = arith.index_cast %add3A_424 : i32 to index
      %get3A_436 = arith.constant 16 : index
      %get3A_437 = tpu.vector_load %arg12[%get3A_435, %get3A_436] {strides = array<i32>} : memref<512x64xf32, #tpu.memory_space<vmem>>, vector<16xf32>,
      %mul3A_438 = arith.mulf %get3A_434, %get3A_437 : vector<16xf32>
      %add3A_439 = arith.addf %mul3A_431, %mul3A_438 : vector<16xf32>
      %get3A_440 = arith.index_cast %add3A_424 : i32 to index
      %get3A_441 = arith.constant 32 : index
      %get3A_442 = tpu.vector_load %arg11[%get3A_440, %get3A_441] {strides = array<i32>} : memref<512x64xf32, #tpu.memory_space<vmem>>, vector<16xf32>,
      %get3A_443 = arith.index_cast %add3A_424 : i32 to index
      %get3A_444 = arith.constant 32 : index
      %get3A_445 = tpu.vector_load %arg12[%get3A_443, %get3A_444] {strides = array<i32>} : memref<512x64xf32, #tpu.memory_space<vmem>>, vector<16xf32>,
      %mul3A_446 = arith.mulf %get3A_442, %get3A_445 : vector<16xf32>
      %get3A_447 = arith.index_cast %add3A_424 : i32 to index
      %get3A_448 = arith.constant 48 : index
      %get3A_449 = tpu.vector_load %arg11[%get3A_447, %get3A_448] {strides = array<i32>} : memref<512x64xf32, #tpu.memory_space<vmem>>, vector<16xf32>,
      %get3A_450 = arith.index_cast %add3A_424 : i32 to index
      %get3A_451 = arith.constant 48 : index
      %get3A_452 = tpu.vector_load %arg12[%get3A_450, %get3A_451] {strides = array<i32>} : memref<512x64xf32, #tpu.memory_space<vmem>>, vector<16xf32>,
      %mul3A_453 = arith.mulf %get3A_449, %get3A_452 : vector<16xf32>
      %add3A_454 = arith.addf %mul3A_446, %mul3A_453 : vector<16xf32>
      %add3A_455 = arith.addf %add3A_439, %add3A_454 : vector<16xf32>
      %add3A_456 = arith.constant 11 : i32
      %add3A_457 = vector.broadcast %add3A_456 : i32 to vector<16xi32>
      %add3A_458 = arith.addi %mul3A_17, %add3A_457 : vector<16xi32>
      tpu.vector_store_idx %arg16[%add3A_458], %add3A_455 : memref<272xf32, #tpu.memory_space<vmem>>[vector<16xi32>], vector<16xf32>,
      %add3A_459 = arith.constant 12 : i32
      %add3A_460 = arith.addi %mul3A_25, %add3A_459 : i32
      %get3A_461 = arith.index_cast %add3A_460 : i32 to index
      %get3A_462 = arith.constant 0 : index
      %get3A_463 = tpu.vector_load %arg11[%get3A_461, %get3A_462] {strides = array<i32>} : memref<512x64xf32, #tpu.memory_space<vmem>>, vector<16xf32>,
      %get3A_464 = arith.index_cast %add3A_460 : i32 to index
      %get3A_465 = arith.constant 0 : index
      %get3A_466 = tpu.vector_load %arg12[%get3A_464, %get3A_465] {strides = array<i32>} : memref<512x64xf32, #tpu.memory_space<vmem>>, vector<16xf32>,
      %mul3A_467 = arith.mulf %get3A_463, %get3A_466 : vector<16xf32>
      %get3A_468 = arith.index_cast %add3A_460 : i32 to index
      %get3A_469 = arith.constant 16 : index
      %get3A_470 = tpu.vector_load %arg11[%get3A_468, %get3A_469] {strides = array<i32>} : memref<512x64xf32, #tpu.memory_space<vmem>>, vector<16xf32>,
      %get3A_471 = arith.index_cast %add3A_460 : i32 to index
      %get3A_472 = arith.constant 16 : index
      %get3A_473 = tpu.vector_load %arg12[%get3A_471, %get3A_472] {strides = array<i32>} : memref<512x64xf32, #tpu.memory_space<vmem>>, vector<16xf32>,
      %mul3A_474 = arith.mulf %get3A_470, %get3A_473 : vector<16xf32>
      %add3A_475 = arith.addf %mul3A_467, %mul3A_474 : vector<16xf32>
      %get3A_476 = arith.index_cast %add3A_460 : i32 to index
      %get3A_477 = arith.constant 32 : index
      %get3A_478 = tpu.vector_load %arg11[%get3A_476, %get3A_477] {strides = array<i32>} : memref<512x64xf32, #tpu.memory_space<vmem>>, vector<16xf32>,
      %get3A_479 = arith.index_cast %add3A_460 : i32 to index
      %get3A_480 = arith.constant 32 : index
      %get3A_481 = tpu.vector_load %arg12[%get3A_479, %get3A_480] {strides = array<i32>} : memref<512x64xf32, #tpu.memory_space<vmem>>, vector<16xf32>,
      %mul3A_482 = arith.mulf %get3A_478, %get3A_481 : vector<16xf32>
      %get3A_483 = arith.index_cast %add3A_460 : i32 to index
      %get3A_484 = arith.constant 48 : index
      %get3A_485 = tpu.vector_load %arg11[%get3A_483, %get3A_484] {strides = array<i32>} : memref<512x64xf32, #tpu.memory_space<vmem>>, vector<16xf32>,
      %get3A_486 = arith.index_cast %add3A_460 : i32 to index
      %get3A_487 = arith.constant 48 : index
      %get3A_488 = tpu.vector_load %arg12[%get3A_486, %get3A_487] {strides = array<i32>} : memref<512x64xf32, #tpu.memory_space<vmem>>, vector<16xf32>,
      %mul3A_489 = arith.mulf %get3A_485, %get3A_488 : vector<16xf32>
      %add3A_490 = arith.addf %mul3A_482, %mul3A_489 : vector<16xf32>
      %add3A_491 = arith.addf %add3A_475, %add3A_490 : vector<16xf32>
      %add3A_492 = arith.constant 12 : i32
      %add3A_493 = vector.broadcast %add3A_492 : i32 to vector<16xi32>
      %add3A_494 = arith.addi %mul3A_17, %add3A_493 : vector<16xi32>
      tpu.vector_store_idx %arg16[%add3A_494], %add3A_491 : memref<272xf32, #tpu.memory_space<vmem>>[vector<16xi32>], vector<16xf32>,
      %add3A_495 = arith.constant 13 : i32
      %add3A_496 = arith.addi %mul3A_25, %add3A_495 : i32
      %get3A_497 = arith.index_cast %add3A_496 : i32 to index
      %get3A_498 = arith.constant 0 : index
      %get3A_499 = tpu.vector_load %arg11[%get3A_497, %get3A_498] {strides = array<i32>} : memref<512x64xf32, #tpu.memory_space<vmem>>, vector<16xf32>,
      %get3A_500 = arith.index_cast %add3A_496 : i32 to index
      %get3A_501 = arith.constant 0 : index
      %get3A_502 = tpu.vector_load %arg12[%get3A_500, %get3A_501] {strides = array<i32>} : memref<512x64xf32, #tpu.memory_space<vmem>>, vector<16xf32>,
      %mul3A_503 = arith.mulf %get3A_499, %get3A_502 : vector<16xf32>
      %get3A_504 = arith.index_cast %add3A_496 : i32 to index
      %get3A_505 = arith.constant 16 : index
      %get3A_506 = tpu.vector_load %arg11[%get3A_504, %get3A_505] {strides = array<i32>} : memref<512x64xf32, #tpu.memory_space<vmem>>, vector<16xf32>,
      %get3A_507 = arith.index_cast %add3A_496 : i32 to index
      %get3A_508 = arith.constant 16 : index
      %get3A_509 = tpu.vector_load %arg12[%get3A_507, %get3A_508] {strides = array<i32>} : memref<512x64xf32, #tpu.memory_space<vmem>>, vector<16xf32>,
      %mul3A_510 = arith.mulf %get3A_506, %get3A_509 : vector<16xf32>
      %add3A_511 = arith.addf %mul3A_503, %mul3A_510 : vector<16xf32>
      %get3A_512 = arith.index_cast %add3A_496 : i32 to index
      %get3A_513 = arith.constant 32 : index
      %get3A_514 = tpu.vector_load %arg11[%get3A_512, %get3A_513] {strides = array<i32>} : memref<512x64xf32, #tpu.memory_space<vmem>>, vector<16xf32>,
      %get3A_515 = arith.index_cast %add3A_496 : i32 to index
      %get3A_516 = arith.constant 32 : index
      %get3A_517 = tpu.vector_load %arg12[%get3A_515, %get3A_516] {strides = array<i32>} : memref<512x64xf32, #tpu.memory_space<vmem>>, vector<16xf32>,
      %mul3A_518 = arith.mulf %get3A_514, %get3A_517 : vector<16xf32>
      %get3A_519 = arith.index_cast %add3A_496 : i32 to index
      %get3A_520 = arith.constant 48 : index
      %get3A_521 = tpu.vector_load %arg11[%get3A_519, %get3A_520] {strides = array<i32>} : memref<512x64xf32, #tpu.memory_space<vmem>>, vector<16xf32>,
      %get3A_522 = arith.index_cast %add3A_496 : i32 to index
      %get3A_523 = arith.constant 48 : index
      %get3A_524 = tpu.vector_load %arg12[%get3A_522, %get3A_523] {strides = array<i32>} : memref<512x64xf32, #tpu.memory_space<vmem>>, vector<16xf32>,
      %mul3A_525 = arith.mulf %get3A_521, %get3A_524 : vector<16xf32>
      %add3A_526 = arith.addf %mul3A_518, %mul3A_525 : vector<16xf32>
      %add3A_527 = arith.addf %add3A_511, %add3A_526 : vector<16xf32>
      %add3A_528 = arith.constant 13 : i32
      %add3A_529 = vector.broadcast %add3A_528 : i32 to vector<16xi32>
      %add3A_530 = arith.addi %mul3A_17, %add3A_529 : vector<16xi32>
      tpu.vector_store_idx %arg16[%add3A_530], %add3A_527 : memref<272xf32, #tpu.memory_space<vmem>>[vector<16xi32>], vector<16xf32>,
      %add3A_531 = arith.constant 14 : i32
      %add3A_532 = arith.addi %mul3A_25, %add3A_531 : i32
      %get3A_533 = arith.index_cast %add3A_532 : i32 to index
      %get3A_534 = arith.constant 0 : index
      %get3A_535 = tpu.vector_load %arg11[%get3A_533, %get3A_534] {strides = array<i32>} : memref<512x64xf32, #tpu.memory_space<vmem>>, vector<16xf32>,
      %get3A_536 = arith.index_cast %add3A_532 : i32 to index
      %get3A_537 = arith.constant 0 : index
      %get3A_538 = tpu.vector_load %arg12[%get3A_536, %get3A_537] {strides = array<i32>} : memref<512x64xf32, #tpu.memory_space<vmem>>, vector<16xf32>,
      %mul3A_539 = arith.mulf %get3A_535, %get3A_538 : vector<16xf32>
      %get3A_540 = arith.index_cast %add3A_532 : i32 to index
      %get3A_541 = arith.constant 16 : index
      %get3A_542 = tpu.vector_load %arg11[%get3A_540, %get3A_541] {strides = array<i32>} : memref<512x64xf32, #tpu.memory_space<vmem>>, vector<16xf32>,
      %get3A_543 = arith.index_cast %add3A_532 : i32 to index
      %get3A_544 = arith.constant 16 : index
      %get3A_545 = tpu.vector_load %arg12[%get3A_543, %get3A_544] {strides = array<i32>} : memref<512x64xf32, #tpu.memory_space<vmem>>, vector<16xf32>,
      %mul3A_546 = arith.mulf %get3A_542, %get3A_545 : vector<16xf32>
      %add3A_547 = arith.addf %mul3A_539, %mul3A_546 : vector<16xf32>
      %get3A_548 = arith.index_cast %add3A_532 : i32 to index
      %get3A_549 = arith.constant 32 : index
      %get3A_550 = tpu.vector_load %arg11[%get3A_548, %get3A_549] {strides = array<i32>} : memref<512x64xf32, #tpu.memory_space<vmem>>, vector<16xf32>,
      %get3A_551 = arith.index_cast %add3A_532 : i32 to index
      %get3A_552 = arith.constant 32 : index
      %get3A_553 = tpu.vector_load %arg12[%get3A_551, %get3A_552] {strides = array<i32>} : memref<512x64xf32, #tpu.memory_space<vmem>>, vector<16xf32>,
      %mul3A_554 = arith.mulf %get3A_550, %get3A_553 : vector<16xf32>
      %get3A_555 = arith.index_cast %add3A_532 : i32 to index
      %get3A_556 = arith.constant 48 : index
      %get3A_557 = tpu.vector_load %arg11[%get3A_555, %get3A_556] {strides = array<i32>} : memref<512x64xf32, #tpu.memory_space<vmem>>, vector<16xf32>,
      %get3A_558 = arith.index_cast %add3A_532 : i32 to index
      %get3A_559 = arith.constant 48 : index
      %get3A_560 = tpu.vector_load %arg12[%get3A_558, %get3A_559] {strides = array<i32>} : memref<512x64xf32, #tpu.memory_space<vmem>>, vector<16xf32>,
      %mul3A_561 = arith.mulf %get3A_557, %get3A_560 : vector<16xf32>
      %add3A_562 = arith.addf %mul3A_554, %mul3A_561 : vector<16xf32>
      %add3A_563 = arith.addf %add3A_547, %add3A_562 : vector<16xf32>
      %add3A_564 = arith.constant 14 : i32
      %add3A_565 = vector.broadcast %add3A_564 : i32 to vector<16xi32>
      %add3A_566 = arith.addi %mul3A_17, %add3A_565 : vector<16xi32>
      tpu.vector_store_idx %arg16[%add3A_566], %add3A_563 : memref<272xf32, #tpu.memory_space<vmem>>[vector<16xi32>], vector<16xf32>,
      %add3A_567 = arith.constant 15 : i32
      %add3A_568 = arith.addi %mul3A_25, %add3A_567 : i32
      %get3A_569 = arith.index_cast %add3A_568 : i32 to index
      %get3A_570 = arith.constant 0 : index
      %get3A_571 = tpu.vector_load %arg11[%get3A_569, %get3A_570] {strides = array<i32>} : memref<512x64xf32, #tpu.memory_space<vmem>>, vector<16xf32>,
      %get3A_572 = arith.index_cast %add3A_568 : i32 to index
      %get3A_573 = arith.constant 0 : index
      %get3A_574 = tpu.vector_load %arg12[%get3A_572, %get3A_573] {strides = array<i32>} : memref<512x64xf32, #tpu.memory_space<vmem>>, vector<16xf32>,
      %mul3A_575 = arith.mulf %get3A_571, %get3A_574 : vector<16xf32>
      %get3A_576 = arith.index_cast %add3A_568 : i32 to index
      %get3A_577 = arith.constant 16 : index
      %get3A_578 = tpu.vector_load %arg11[%get3A_576, %get3A_577] {strides = array<i32>} : memref<512x64xf32, #tpu.memory_space<vmem>>, vector<16xf32>,
      %get3A_579 = arith.index_cast %add3A_568 : i32 to index
      %get3A_580 = arith.constant 16 : index
      %get3A_581 = tpu.vector_load %arg12[%get3A_579, %get3A_580] {strides = array<i32>} : memref<512x64xf32, #tpu.memory_space<vmem>>, vector<16xf32>,
      %mul3A_582 = arith.mulf %get3A_578, %get3A_581 : vector<16xf32>
      %add3A_583 = arith.addf %mul3A_575, %mul3A_582 : vector<16xf32>
      %get3A_584 = arith.index_cast %add3A_568 : i32 to index
      %get3A_585 = arith.constant 32 : index
      %get3A_586 = tpu.vector_load %arg11[%get3A_584, %get3A_585] {strides = array<i32>} : memref<512x64xf32, #tpu.memory_space<vmem>>, vector<16xf32>,
      %get3A_587 = arith.index_cast %add3A_568 : i32 to index
      %get3A_588 = arith.constant 32 : index
      %get3A_589 = tpu.vector_load %arg12[%get3A_587, %get3A_588] {strides = array<i32>} : memref<512x64xf32, #tpu.memory_space<vmem>>, vector<16xf32>,
      %mul3A_590 = arith.mulf %get3A_586, %get3A_589 : vector<16xf32>
      %get3A_591 = arith.index_cast %add3A_568 : i32 to index
      %get3A_592 = arith.constant 48 : index
      %get3A_593 = tpu.vector_load %arg11[%get3A_591, %get3A_592] {strides = array<i32>} : memref<512x64xf32, #tpu.memory_space<vmem>>, vector<16xf32>,
      %get3A_594 = arith.index_cast %add3A_568 : i32 to index
      %get3A_595 = arith.constant 48 : index
      %get3A_596 = tpu.vector_load %arg12[%get3A_594, %get3A_595] {strides = array<i32>} : memref<512x64xf32, #tpu.memory_space<vmem>>, vector<16xf32>,
      %mul3A_597 = arith.mulf %get3A_593, %get3A_596 : vector<16xf32>
      %add3A_598 = arith.addf %mul3A_590, %mul3A_597 : vector<16xf32>
      %add3A_599 = arith.addf %add3A_583, %add3A_598 : vector<16xf32>
      %add3A_600 = arith.constant 15 : i32
      %add3A_601 = vector.broadcast %add3A_600 : i32 to vector<16xi32>
      %add3A_602 = arith.addi %mul3A_17, %add3A_601 : vector<16xi32>
      tpu.vector_store_idx %arg16[%add3A_602], %add3A_599 : memref<272xf32, #tpu.memory_space<vmem>>[vector<16xi32>], vector<16xf32>,
      %gather3A = tpu.vector_load_idx %arg9[%get3A_26] : memref<1000xf32, #tpu.memory_space<vmem>>[vector<16xi32>], vector<16xf32>,
      %get3A_603 = arith.constant 0 : index
      %get3A_604 = tpu.vector_load %arg16[%get3A_603] {strides = array<i32>} : memref<272xf32, #tpu.memory_space<vmem>>, vector<16xf32>,
      %add3A_605 = arith.addf %gather3A, %get3A_604 : vector<16xf32>
      %get3A_606 = arith.constant 17 : index
      %get3A_607 = tpu.vector_load %arg16[%get3A_606] {strides = array<i32>} : memref<272xf32, #tpu.memory_space<vmem>>, vector<16xf32>,
      %add3A_608 = arith.addf %add3A_605, %get3A_607 : vector<16xf32>
      %get3A_609 = arith.constant 34 : index
      %get3A_610 = tpu.vector_load %arg16[%get3A_609] {strides = array<i32>} : memref<272xf32, #tpu.memory_space<vmem>>, vector<16xf32>,
      %add3A_611 = arith.addf %add3A_608, %get3A_610 : vector<16xf32>
      %get3A_612 = arith.constant 51 : index
      %get3A_613 = tpu.vector_load %arg16[%get3A_612] {strides = array<i32>} : memref<272xf32, #tpu.memory_space<vmem>>, vector<16xf32>,
      %add3A_614 = arith.addf %add3A_611, %get3A_613 : vector<16xf32>
      %get3A_615 = arith.constant 68 : index
      %get3A_616 = tpu.vector_load %arg16[%get3A_615] {strides = array<i32>} : memref<272xf32, #tpu.memory_space<vmem>>, vector<16xf32>,
      %add3A_617 = arith.addf %add3A_614, %get3A_616 : vector<16xf32>
      %get3A_618 = arith.constant 85 : index
      %get3A_619 = tpu.vector_load %arg16[%get3A_618] {strides = array<i32>} : memref<272xf32, #tpu.memory_space<vmem>>, vector<16xf32>,
      %add3A_620 = arith.addf %add3A_617, %get3A_619 : vector<16xf32>
      %get3A_621 = arith.constant 102 : index
      %get3A_622 = tpu.vector_load %arg16[%get3A_621] {strides = array<i32>} : memref<272xf32, #tpu.memory_space<vmem>>, vector<16xf32>,
      %add3A_623 = arith.addf %add3A_620, %get3A_622 : vector<16xf32>
      %get3A_624 = arith.constant 119 : index
      %get3A_625 = tpu.vector_load %arg16[%get3A_624] {strides = array<i32>} : memref<272xf32, #tpu.memory_space<vmem>>, vector<16xf32>,
      %add3A_626 = arith.addf %add3A_623, %get3A_625 : vector<16xf32>
      %get3A_627 = arith.constant 136 : index
      %get3A_628 = tpu.vector_load %arg16[%get3A_627] {strides = array<i32>} : memref<272xf32, #tpu.memory_space<vmem>>, vector<16xf32>,
      %add3A_629 = arith.addf %add3A_626, %get3A_628 : vector<16xf32>
      %get3A_630 = arith.constant 153 : index
      %get3A_631 = tpu.vector_load %arg16[%get3A_630] {strides = array<i32>} : memref<272xf32, #tpu.memory_space<vmem>>, vector<16xf32>,
      %add3A_632 = arith.addf %add3A_629, %get3A_631 : vector<16xf32>
      %get3A_633 = arith.constant 170 : index
      %get3A_634 = tpu.vector_load %arg16[%get3A_633] {strides = array<i32>} : memref<272xf32, #tpu.memory_space<vmem>>, vector<16xf32>,
      %add3A_635 = arith.addf %add3A_632, %get3A_634 : vector<16xf32>
      %get3A_636 = arith.constant 187 : index
      %get3A_637 = tpu.vector_load %arg16[%get3A_636] {strides = array<i32>} : memref<272xf32, #tpu.memory_space<vmem>>, vector<16xf32>,
      %add3A_638 = arith.addf %add3A_635, %get3A_637 : vector<16xf32>
      %get3A_639 = arith.constant 204 : index
      %get3A_640 = tpu.vector_load %arg16[%get3A_639] {strides = array<i32>} : memref<272xf32, #tpu.memory_space<vmem>>, vector<16xf32>,
      %add3A_641 = arith.addf %add3A_638, %get3A_640 : vector<16xf32>
      %get3A_642 = arith.constant 221 : index
      %get3A_643 = tpu.vector_load %arg16[%get3A_642] {strides = array<i32>} : memref<272xf32, #tpu.memory_space<vmem>>, vector<16xf32>,
      %add3A_644 = arith.addf %add3A_641, %get3A_643 : vector<16xf32>
      %get3A_645 = arith.constant 238 : index
      %get3A_646 = tpu.vector_load %arg16[%get3A_645] {strides = array<i32>} : memref<272xf32, #tpu.memory_space<vmem>>, vector<16xf32>,
      %add3A_647 = arith.addf %add3A_644, %get3A_646 : vector<16xf32>
      %get3A_648 = arith.constant 255 : index
      %get3A_649 = tpu.vector_load %arg16[%get3A_648] {strides = array<i32>} : memref<272xf32, #tpu.memory_space<vmem>>, vector<16xf32>,
      %add3A_650 = arith.addf %add3A_647, %get3A_649 : vector<16xf32>
      %exp3A = math.exp %add3A_650 : vector<16xf32>
      %swap3A = arith.index_cast %mul3A_25 : i32 to index
      %swap3A_651 = tpu.vector_load %arg14[%swap3A] {strides = array<i32>} : memref<512xf32, #tpu.memory_space<vmem>>, vector<16xf32>,
      tpu.vector_store %arg14[%swap3A], %exp3A {strides = array<i32>} : memref<512xf32, #tpu.memory_space<vmem>>, vector<16xf32>,
      %gather3A_652 = tpu.vector_load_idx %arg10[%get3A_26] : memref<1000xf32, #tpu.memory_space<vmem>>[vector<16xi32>], vector<16xf32>,
      %swap3A_653 = arith.index_cast %mul3A_25 : i32 to index
      %swap3A_654 = tpu.vector_load %arg15[%swap3A_653] {strides = array<i32>} : memref<512xf32, #tpu.memory_space<vmem>>, vector<16xf32>,
      tpu.vector_store %arg15[%swap3A_653], %gather3A_652 {strides = array<i32>} : memref<512xf32, #tpu.memory_space<vmem>>, vector<16xf32>,
    }
    %scan3A_22 = arith.constant 32 : i32
    "tpu.region"() ({
      %run_scoped3A = tpu.sem_alloc : memref<!tpu.dma_semaphore, #tpu.memory_space<semaphore_mem>>
      %dma_start3A_23 = tpu.memref_slice %arg7[%mul3A_2] : memref<16384xf32, #tpu.memory_space<hbm>> -> memref<512xf32, #tpu.memory_space<hbm>>
      %dma_start3A_24 = tpu.memref_slice %arg7[%mul3A_2] : memref<16384xf32, #tpu.memory_space<hbm>> -> memref<512xf32, #tpu.memory_space<hbm>>
      tpu.enqueue_dma source(%arg14 : memref<512xf32, #tpu.memory_space<vmem>>) target(%dma_start3A_24 : memref<512xf32, #tpu.memory_space<hbm>>) target_semaphore(%run_scoped3A : memref<!tpu.dma_semaphore, #tpu.memory_space<semaphore_mem>>)
      %dma_wait3A_25 = tpu.memref_slice %arg7[%mul3A_2] : memref<16384xf32, #tpu.memory_space<hbm>> -> memref<512xf32, #tpu.memory_space<hbm>>
      %dma_wait3A_26 = tpu.memref_slice %arg7[%mul3A_2] : memref<16384xf32, #tpu.memory_space<hbm>> -> memref<512xf32, #tpu.memory_space<hbm>>
      tpu.wait_dma2 semaphore(%run_scoped3A : memref<!tpu.dma_semaphore, #tpu.memory_space<semaphore_mem>>) src(%arg14 : memref<512xf32, #tpu.memory_space<vmem>>) dst(%dma_wait3A_26 : memref<512xf32, #tpu.memory_space<hbm>>)
      tpu.yield
    }) : () -> ()
    "tpu.region"() ({
      %run_scoped3A = tpu.sem_alloc : memref<!tpu.dma_semaphore, #tpu.memory_space<semaphore_mem>>
      %dma_start3A_23 = tpu.memref_slice %arg8[%mul3A_2] : memref<16384xf32, #tpu.memory_space<hbm>> -> memref<512xf32, #tpu.memory_space<hbm>>
      %dma_start3A_24 = tpu.memref_slice %arg8[%mul3A_2] : memref<16384xf32, #tpu.memory_space<hbm>> -> memref<512xf32, #tpu.memory_space<hbm>>
      tpu.enqueue_dma source(%arg15 : memref<512xf32, #tpu.memory_space<vmem>>) target(%dma_start3A_24 : memref<512xf32, #tpu.memory_space<hbm>>) target_semaphore(%run_scoped3A : memref<!tpu.dma_semaphore, #tpu.memory_space<semaphore_mem>>)
      %dma_wait3A_25 = tpu.memref_slice %arg8[%mul3A_2] : memref<16384xf32, #tpu.memory_space<hbm>> -> memref<512xf32, #tpu.memory_space<hbm>>
      %dma_wait3A_26 = tpu.memref_slice %arg8[%mul3A_2] : memref<16384xf32, #tpu.memory_space<hbm>> -> memref<512xf32, #tpu.memory_space<hbm>>
      tpu.wait_dma2 semaphore(%run_scoped3A : memref<!tpu.dma_semaphore, #tpu.memory_space<semaphore_mem>>) src(%arg15 : memref<512xf32, #tpu.memory_space<vmem>>) dst(%dma_wait3A_26 : memref<512xf32, #tpu.memory_space<hbm>>)
      tpu.yield
    }) : () -> ()
    return
  }
}

module attributes {stable_mosaic.version = 14 : i64} {
  func.func @_tc_body(%arg0: i32, %arg1: memref<25x1xi32, #tpu.memory_space<vmem>>, %arg2: memref<2048x64xf32, #tpu.memory_space<vmem>>, %arg3: memref<1000x64xf32, #tpu.memory_space<vmem>>, %arg4: memref<1000x1xf32, #tpu.memory_space<vmem>>, %arg5: memref<1000x1xf32, #tpu.memory_space<vmem>>, %arg6: memref<25x2048xf32, #tpu.memory_space<vmem>>, %arg7: memref<25x2048xf32, #tpu.memory_space<vmem>>) attributes {dimension_semantics = [#tpu.dimension_semantics<arbitrary>], iteration_bounds = array<i64: 8>, scalar_prefetch = 0 : i64, scratch_operands = 0 : i64, tpu.core_type = #tpu.core_type<tc>, window_params = [{pipeline_mode = #tpu.pipeline_mode<synchronous>, transform_indices = @transform_0, window_bounds = array<i64: 25, 1>}, {transform_indices = @transform_1, window_bounds = array<i64: 2048, 64>}, {pipeline_mode = #tpu.pipeline_mode<synchronous>, transform_indices = @transform_2, window_bounds = array<i64: 1000, 64>}, {pipeline_mode = #tpu.pipeline_mode<synchronous>, transform_indices = @transform_3, window_bounds = array<i64: 1000, 1>}, {pipeline_mode = #tpu.pipeline_mode<synchronous>, transform_indices = @transform_4, window_bounds = array<i64: 1000, 1>}, {transform_indices = @transform_5, window_bounds = array<i64: 25, 2048>}, {transform_indices = @transform_6, window_bounds = array<i64: 25, 2048>}]} {
    %get3A = arith.constant 0 : index
    %get3A_0 = arith.constant 0 : index
    %get3A_1 = vector.load %arg1[%get3A, %get3A_0] : memref<25x1xi32, #tpu.memory_space<vmem>>, vector<25x1xi32>
    %iota3A = tpu.iota {dimensions = array<i32: 1>} : vector<25x1000xi32>
    %eq3A = vector.broadcast %get3A_1 : vector<25x1xi32> to vector<25x1000xi32>
    %eq3A_2 = arith.cmpi eq, %iota3A, %eq3A : vector<25x1000xi32>
    %jit3A = arith.constant 1.000000e+00 : f32
    %jit3A_3 = arith.constant 0.000000e+00 : f32
    %broadcast_in_dim3A = vector.broadcast %jit3A : f32 to vector<25x1000xf32>
    %broadcast_in_dim3A_4 = vector.broadcast %jit3A_3 : f32 to vector<25x1000xf32>
    %select_n3A = arith.select %eq3A_2, %broadcast_in_dim3A, %broadcast_in_dim3A_4 : vector<25x1000xi1>, vector<25x1000xf32>
    %get3A_5 = arith.constant 0 : index
    %get3A_6 = arith.constant 0 : index
    %get3A_7 = vector.load %arg3[%get3A_5, %get3A_6] : memref<1000x64xf32, #tpu.memory_space<vmem>>, vector<1000x64xf32>
    %dot_general3A = arith.constant dense<0.000000e+00> : vector<25x64xf32>
    %dot_general3A_8 = tpu.matmul %select_n3A, %get3A_7, %dot_general3A {dimension_numbers = #tpu.dot_dimension_numbers<[1], [0], [0], [1], [0, 0, 1, 1], [], []>, transpose_lhs_hint = false} : vector<25x1000xf32>, vector<1000x64xf32>, vector<25x64xf32> -> vector<25x64xf32>
    %get3A_9 = arith.constant 0 : index
    %get3A_10 = arith.constant 0 : index
    %get3A_11 = vector.load %arg4[%get3A_9, %get3A_10] : memref<1000x1xf32, #tpu.memory_space<vmem>>, vector<1000x1xf32>
    %dot_general3A_12 = arith.constant dense<0.000000e+00> : vector<25x1xf32>
    %dot_general3A_13 = tpu.matmul %select_n3A, %get3A_11, %dot_general3A_12 {dimension_numbers = #tpu.dot_dimension_numbers<[1], [0], [0], [1], [0, 0, 1, 1], [], []>, transpose_lhs_hint = false} : vector<25x1000xf32>, vector<1000x1xf32>, vector<25x1xf32> -> vector<25x1xf32>
    %get3A_14 = arith.constant 0 : index
    %get3A_15 = arith.constant 0 : index
    %get3A_16 = vector.load %arg5[%get3A_14, %get3A_15] : memref<1000x1xf32, #tpu.memory_space<vmem>>, vector<1000x1xf32>
    %dot_general3A_17 = arith.constant dense<0.000000e+00> : vector<25x1xf32>
    %dot_general3A_18 = tpu.matmul %select_n3A, %get3A_16, %dot_general3A_17 {dimension_numbers = #tpu.dot_dimension_numbers<[1], [0], [0], [1], [0, 0, 1, 1], [], []>, transpose_lhs_hint = false} : vector<25x1000xf32>, vector<1000x1xf32>, vector<25x1xf32> -> vector<25x1xf32>
    %get3A_19 = arith.constant 0 : index
    %get3A_20 = arith.constant 0 : index
    %get3A_21 = vector.load %arg2[%get3A_19, %get3A_20] : memref<2048x64xf32, #tpu.memory_space<vmem>>, vector<2048x64xf32>
    %dot_general3A_22 = arith.constant dense<0.000000e+00> : vector<25x2048xf32>
    %dot_general3A_23 = tpu.matmul %dot_general3A_8, %get3A_21, %dot_general3A_22 {dimension_numbers = #tpu.dot_dimension_numbers<[1], [1], [0], [0], [0, 0, 1, 0], [], []>, transpose_lhs_hint = false} : vector<25x64xf32>, vector<2048x64xf32>, vector<25x2048xf32> -> vector<25x2048xf32>
    %add3A = vector.broadcast %dot_general3A_13 : vector<25x1xf32> to vector<25x2048xf32>
    %add3A_24 = arith.addf %dot_general3A_23, %add3A : vector<25x2048xf32>
    %exp3A = math.exp %add3A_24 : vector<25x2048xf32>
    %swap3A = arith.constant 0 : index
    %swap3A_25 = arith.constant 0 : index
    %swap3A_26 = vector.load %arg6[%swap3A, %swap3A_25] : memref<25x2048xf32, #tpu.memory_space<vmem>>, vector<25x2048xf32>
    tpu.vector_store %arg6[%swap3A, %swap3A_25], %exp3A {strides = array<i32>} : memref<25x2048xf32, #tpu.memory_space<vmem>>, vector<25x2048xf32>,
    %broadcast_in_dim3A_27 = vector.shape_cast %dot_general3A_18 : vector<25x1xf32> to vector<25x1xf32>
    %broadcast_in_dim3A_28 = vector.broadcast %broadcast_in_dim3A_27 : vector<25x1xf32> to vector<25x2048xf32>
    %swap3A_29 = arith.constant 0 : index
    %swap3A_30 = arith.constant 0 : index
    %swap3A_31 = vector.load %arg7[%swap3A_29, %swap3A_30] : memref<25x2048xf32, #tpu.memory_space<vmem>>, vector<25x2048xf32>
    tpu.vector_store %arg7[%swap3A_29, %swap3A_30], %broadcast_in_dim3A_28 {strides = array<i32>} : memref<25x2048xf32, #tpu.memory_space<vmem>>, vector<25x2048xf32>,
    return
  }
  func.func @transform_0(%arg0: i32) -> (i32, i32) {
    %c0_i32 = arith.constant 0 : i32
    %c0_i32_0 = arith.constant 0 : i32
    %c0_i32_1 = arith.constant 0 : i32
    return %c0_i32, %c0_i32_0 : i32, i32
  }
  func.func @transform_1(%arg0: i32) -> (i32, i32) {
    %c0_i32 = arith.constant 0 : i32
    %c0_i32_0 = arith.constant 0 : i32
    return %arg0, %c0_i32 : i32, i32
  }
  func.func @transform_2(%arg0: i32) -> (i32, i32) {
    %c0_i32 = arith.constant 0 : i32
    %c0_i32_0 = arith.constant 0 : i32
    %c0_i32_1 = arith.constant 0 : i32
    return %c0_i32, %c0_i32_0 : i32, i32
  }
  func.func @transform_3(%arg0: i32) -> (i32, i32) {
    %c0_i32 = arith.constant 0 : i32
    %c0_i32_0 = arith.constant 0 : i32
    %c0_i32_1 = arith.constant 0 : i32
    return %c0_i32, %c0_i32_0 : i32, i32
  }
  func.func @transform_4(%arg0: i32) -> (i32, i32) {
    %c0_i32 = arith.constant 0 : i32
    %c0_i32_0 = arith.constant 0 : i32
    %c0_i32_1 = arith.constant 0 : i32
    return %c0_i32, %c0_i32_0 : i32, i32
  }
  func.func @transform_5(%arg0: i32) -> (i32, i32) {
    %c0_i32 = arith.constant 0 : i32
    %c0_i32_0 = arith.constant 0 : i32
    return %c0_i32, %arg0 : i32, i32
  }
  func.func @transform_6(%arg0: i32) -> (i32, i32) {
    %c0_i32 = arith.constant 0 : i32
    %c0_i32_0 = arith.constant 0 : i32
    return %c0_i32, %arg0 : i32, i32
  }
}

</mosaic_0001>

<sc_bundles>
// kernel: kernel.4.cloned.1.call-start
scs
__scs_entry_jumppad:
0x0: {  	(pc) =	sbr.rel $0x88, $3  }
0x1: {  	(tag) =	ssettag $0x0;
	lr =	simm.s32 $0x1  }
0x2: {  	[smem:$0x3F9B] =	sst lr;
	_ =	strace $0xD0000000  }
0x3: {  	_ = 	snop  }
0x4: {  	_ = 	snop  }
0x5: {  	_ = 	snop  }
0x6: {  	_ = 	snop  }
0x7: {  	_ = 	snop  }
__scs_overlays_trampoline_lowered:
0x8: {  	[smem:$0x3FAA] =	sst s0  }
0x9: {  	[smem:$0x3FAB] =	sst s1  }
0xa: {  	[smem:$0x3FAC] =	sst s2  }
0xb: {  	[smem:$0x3FAD] =	sst s3  }
0xc: {  	[smem:$0x3FAE] =	sst s4  }
0xd: {  	[smem:$0x3FAF] =	sst s5  }
0xe: {  	[smem:$0x3FB0] =	sst s6  }
0xf: {  	[smem:$0x3FB1] =	sst s7  }
0x10: {  	[smem:$0x3FB2] =	sst s8  }
0x11: {  	[smem:$0x3FB3] =	sst s9;
	s0 =	simm.s32 @!p0 $0x0  }
0x12: {  	s1 =	sld [smem:$0x3F99];
	s0 =	simm.s32 @p0 $0x1  }
0x13: {  	[smem:$0x3FB4] =	sst s0;
	s0 =	simm.s32 @!p1 $0x0  }
0x14: {  	s2 =	sld [smem:$0x3F98];
	s0 =	simm.s32 @p1 $0x1  }
0x15: {  	[smem:$0x3FB5] =	sst s0;
	s0 =	simm.s32 @!p2 $0x0  }
0x16: {  	s3 =	sld [smem:$0x3FDB];
	s0 =	simm.s32 @p2 $0x1  }
0x17: {  	s4 =	simm.s32 $0x1BF5;
	[smem:$0x3FB7] =	sst s0  }
0x18: {  	s0 =	sld [smem:$0x3F9A];
	_ =	swait.ge [sflag:s4], $0x0  }
0x19: {  	s7 =	sld [smem:$0x3F9B]  }
0x1a: {  	s8 =	sadd.s32 $0xFFFFE003, lr  }
0x1b: {  	s9 =	sadd.s32 $0xFFFFFEF7, lr;
	s5 =	simm.s32 $0xFFFFFFFF;
	p2 =	slt.u32 s8, $0xFFFFF086  }
0x1c: {  	p1 =	slt.u32 s9, $0xF7A;
	s5 =	simm.s32 @!p2 $0x0  }
0x1d: {  	s5 =	simm.s32 @p1 $0x1;
	p0 =	seq.s32 s7, s2  }
0x1e: {  	s7 =	smul.u32 @!p0 $0xF7A, s2;
	p2 =	seq.s32 @!p0 s5, $0x0  }
0x1f: {  	s9 =	smul.u32 $0xF7A, s1;
	s8 =	simm.s32 @!p0 $0x1BF5;
	p2 =	por !p2, p0  }
0x20: {  	[sflag:s8] =	ssyncset.s32 @!p0 $0xFFFFF086;
	s6 =	sadd.s32 @!p0 s3, s7;
	s7 =	simm.s32 @!p0 $0x108  }
0x21: {  	s3 =	sadd.s32 s3, s9;
	s6 =	sadd.s32 @!p0 $0x88, s6;
	s7 =	simm.s32 @p2 $0x1082  }
0x22: {  	[simem:s7], [sflag:s8] =	dma.local @!p0 [hbm:s6], $0xF7A  }
0x23: {  	s9 =	sor.u32 $0xD0000000, s2;
	s6 =	simm.s32 $0x108;
	_ =	swait.ge @!p0 [sflag:s8], $0x0  }
0x24: {  	s3 =	sadd.s32 $0x88, s3;
	s6 =	simm.s32 @!p1 $0x1082;
	[sflag:s4] =	ssyncset.s32 $0xFFFFF086  }
0x25: {  	[simem:s6], [sflag:s4] =	dma.local [hbm:s3], $0xF7A  }
0x26: {  	[smem:$0x3F9B] =	sst s1;
	(tag) =	ssettag s2;
	_ =	strace s9  }
0x27: {  	s1 =	sld [smem:$0x3FAB]  }
0x28: {  	s2 =	sld [smem:$0x3FAC]  }
0x29: {  	s4 =	sld [smem:$0x3FAE]  }
0x2a: {  	p0 =	seq.s32 s5, $0x0;
	s5 =	sld [smem:$0x3FAF]  }
0x2b: {  	s6 =	sld [smem:$0x3FB0]  }
0x2c: {  	s7 =	sld [smem:$0x3FB1]  }
0x2d: {  	s3 =	simm.s32 $0x108;
	s8 =	sld [smem:$0x3FB2]  }
0x2e: {  	s3 =	simm.s32 @!p0 $0x1082;
	s9 =	sld [smem:$0x3FB3]  }
0x2f: {  	lr =	sadd.s32 s0, s3;
	s0 =	sld [smem:$0x3FAA]  }
0x30: {  	s3 =	sld [smem:$0x3FAD]  }
0x31: {  	[smem:$0x3FB6] =	sst s10  }
0x32: {  	s10 =	sld [smem:$0x3FB4];
	_ =	sdelay $0x3  }
0x33: {  	p0 =	seq.s32 s10, $0x1;
	s10 =	sld [smem:$0x3FB6];
	_ =	sdelay $0x3  }
0x34: {  	[smem:$0x3FB6] =	sst s10  }
0x35: {  	s10 =	sld [smem:$0x3FB5];
	_ =	sdelay $0x3  }
0x36: {  	p1 =	seq.s32 s10, $0x1;
	s10 =	sld [smem:$0x3FB6];
	_ =	sdelay $0x3  }
0x37: {  	[smem:$0x3FB6] =	sst s10  }
0x38: {  	s10 =	sld [smem:$0x3FB7]  }
0x39: {  	_ = 	snop;
	(pc) =	sbr.ind lr, $3  }
0x3a: {  	_ = 	snop  }
0x3b: {  	_ = 	snop  }
0x3c: {  	p2 =	seq.s32 s10, $0x1;
	s10 =	sld [smem:$0x3FB6]  }
0x3d: {  	_ =	shalt  }
0x3e: {  	_ =	shalt  }
0x3f: {  	_ =	shalt  }
0x40: {  	_ =	shalt  }
0x41: {  	_ =	shalt  }
0x42: {  	_ =	shalt  }
0x43: {  	_ =	shalt  }
0x44: {  	_ =	shalt  }
0x45: {  	_ =	shalt  }
0x46: {  	_ =	shalt  }
0x47: {  	_ =	shalt  }
0x48: {  	_ =	shalt  }
0x49: {  	_ =	shalt  }
0x4a: {  	_ =	shalt  }
0x4b: {  	_ =	shalt  }
0x4c: {  	_ =	shalt  }
0x4d: {  	_ =	shalt  }
0x4e: {  	_ =	shalt  }
0x4f: {  	_ =	shalt  }
0x50: {  	_ =	shalt  }
0x51: {  	_ =	shalt  }
0x52: {  	_ =	shalt  }
0x53: {  	_ =	shalt  }
0x54: {  	_ =	shalt  }
0x55: {  	_ =	shalt  }
0x56: {  	_ =	shalt  }
0x57: {  	_ =	shalt  }
0x58: {  	_ =	shalt  }
0x59: {  	_ =	shalt  }
0x5a: {  	_ =	shalt  }
0x5b: {  	_ =	shalt  }
0x5c: {  	_ =	shalt  }
0x5d: {  	_ =	shalt  }
0x5e: {  	_ =	shalt  }
0x5f: {  	_ =	shalt  }
0x60: {  	_ =	shalt  }
0x61: {  	_ =	shalt  }
0x62: {  	_ =	shalt  }
0x63: {  	_ =	shalt  }
0x64: {  	_ =	shalt  }
0x65: {  	_ =	shalt  }
0x66: {  	_ =	shalt  }
0x67: {  	_ =	shalt  }
0x68: {  	_ =	shalt  }
0x69: {  	_ =	shalt  }
0x6a: {  	_ =	shalt  }
0x6b: {  	_ =	shalt  }
0x6c: {  	_ =	shalt  }
0x6d: {  	_ =	shalt  }
0x6e: {  	_ =	shalt  }
0x6f: {  	_ =	shalt  }
0x70: {  	_ =	shalt  }
0x71: {  	_ =	shalt  }
0x72: {  	_ =	shalt  }
0x73: {  	_ =	shalt  }
0x74: {  	_ =	shalt  }
0x75: {  	_ =	shalt  }
0x76: {  	_ =	shalt  }
0x77: {  	_ =	shalt  }
0x78: {  	_ =	shalt  }
0x79: {  	_ =	shalt  }
0x7a: {  	_ =	shalt  }
0x7b: {  	_ =	shalt  }
0x7c: {  	_ =	shalt  }
0x7d: {  	_ =	shalt  }
0x7e: {  	_ =	shalt  }
0x7f: {  	_ =	shalt  }
0x80: {  	_ =	shalt  }
0x81: {  	_ =	shalt  }
0x82: {  	_ =	shalt  }
0x83: {  	_ =	shalt  }
0x84: {  	_ =	shalt  }
0x85: {  	_ =	shalt  }
0x86: {  	_ =	shalt  }
0x87: {  	_ =	shalt  }
.Lfunc_end0:
.L_simem_size_0:
called_computation_lowered:
.L_overlay_start_0:
0x88: {  	s2 =	sld [smem:$0x3FD9]  }
0x89: {  	s3 =	sld [smem:$0x3FFE];
	_ =	sdelay $0x1  }
0x8a: {  	s1 =	srdreg.scid  }
0x8b: {  	s0 =	sand.u32 $0x1, s1  }
0x8c: {  	s14 =	sshll.u32 s0, $0xA;
	s2 =	sadd.s32 s3, s2  }
0x8d: {  	s2 =	sadd.s32 s2, s14  }
0x8e: {  	[smem:$0x3FC2] =	sst s2  }
0x8f: {  	_ = 	snop  }
0x90: {  	s2 =	sld [smem:$0x3FD0]  }
0x91: {  	s15 =	sld [smem:$0x3FC8]  }
0x92: {  	s4 =	sld [smem:$0x3FC5]  }
0x93: {  	s6 =	simm.s32 $0xA;
	s7 =	simm.s32 $0x10;
	s5 =	sld [smem:$0x3FC4]  }
0x94: {  	[smem:s7], [sflag:s6] =	dma.local [hbm:s2], $0x1  }
0x95: {  	_ =	swait.eq [sflag:s6], $0x1  }
0x96: {  	[sflag:s6] =	ssyncset.done $0x0  }
0x97: {  	s16 =	sld [smem:$0x10];
	[sflag:s6] =	ssyncadd.s32 $0xFFFFFFFF  }
0x98: {  	s17 =	sld [smem:$0x11];
	(tm) =	ssettm $0x1  }
0x99: {  	s18 =	sld [smem:$0x3FFB];
	_ =	sdelay $0x3  }
0x9a: {  	_ =	strace s18  }
0x9b: {  	s7 =	sld [smem:$0x3FFC];
	_ =	sdelay $0x3  }
0x9c: {  	_ =	strace s7  }
0x9d: {  	s7 =	sld [smem:$0x3FFD];
	_ =	sdelay $0x3  }
0x9e: {  	_ =	strace s7  }
0x9f: {  	_ =	strace $0x8FFFFFFF  }
0xa0: {  	s19 =	sld [smem:$0x3FDB];
	_ =	sdelay $0x1  }
0xa1: {  	s8 =	simm.s32 $_scs_section_size  }
0xa2: {  	s9 =	simm.s32 $_size__tile_overlayer_lowered;
	s10 =	simm.s32 $_tile_overlayer_lowered  }
0xa3: {  	s22 =	simm.s32 $0x1BFF;
	s21 =	sshll.u32 s10, $0x1;
	s7 =	sadd.s32 s8, s19  }
0xa4: {  	s11 =	simm.s32 $0x0;
	s20 =	sshll.u32 s9, $0x1;
	s9 =	sadd.s32 s21, s7  }
0xa5: {  	[timem:s11], [sflag:s22] =	dma.local [hbm:s9], s20  }
0xa6: {  	_ =	swait.ge [sflag:s22], s20  }
0xa7: {  	s8 =	ssub.s32 $0x0, s20;
	[sflag:s22] =	ssyncset.done $0x0  }
0xa8: {  	[sflag:s22] =	ssyncadd.s32 s8;
	_ =	sdelay $0x1  }
0xa9: {  	s23 =	simm.s32 $0x1B8B  }
0xaa: {  	_ =	swait.ge [sflag:s23], $0x1  }
0xab: {  	[sflag:s23] =	ssyncset.done $0x0  }
0xac: {  	s25 =	simm.s32 $0x1B8E;
	s24 =	sld [smem:$0x3FFE];
	[sflag:s23] =	ssyncadd.s32 $0xFFFFFFFF  }
0xad: {  	s26 =	simm.s32 $execute0_lowered;
	[smem:$0x3FD2] =	sst s25  }
0xae: {  	s9 =	sshll.u32 s26, $0x1;
	_ =	strace $0x80000046;
	[dreg:$0x1] =	wrdreg $0xFFFFFFFF  }
0xaf: {  	s28 =	simm.s32 $_size_execute0_lowered;
	s7 =	sadd.s32 s7, s9;
	[dreg:$0x0] =	wrdreg $0x0  }
0xb0: {  	s9 =	sshll.u32 s28, $0x1;
	[dreg:$0x2] =	wrdreg s7  }
0xb1: {  	[dreg:$0x3] =	wrdreg s9  }
0xb2: {  	[dreg:$0x4] =	wrdreg $0xC0  }
0xb3: {  	_ =	task [dreg:s11], $0x5FFFF  }
0xb4: {  	[dreg:$0x1] =	wrdreg $0xFFFFFFFF  }
0xb5: {  	[dreg:$0x0] =	wrdreg $0x60  }
0xb6: {  	[dreg:$0x2] =	wrdreg s24  }
0xb7: {  	[dreg:$0x3] =	wrdreg s15  }
0xb8: {  	[dreg:$0x4] =	wrdreg s4  }
0xb9: {  	[dreg:$0x5] =	wrdreg s5  }
0xba: {  	[dreg:$0x6] =	wrdreg s16  }
0xbb: {  	[dreg:$0x7] =	wrdreg s17  }
0xbc: {  	[dreg:$0x8] =	wrdreg $0x9  }
0xbd: {  	_ =	task.clear_ibuf [dreg:s11], $0x9FFFF;
	_ =	strace $0x90000046  }
0xbe: {  	s29 =	simm.s32 $0x9;
	_ =	strace $0x80000048  }
0xbf: {  	_ =	swait.ge [sflag:s29], $0x1  }
0xc0: {  	[sflag:s29] =	ssyncadd.s32 $0xFFFFFFFF  }
0xc1: {  	_ =	strace $0x90000048  }
0xc2: {  	_ =	sfence  }
0xc3: {  	s30 =	sld [smem:$0x0];
	_ =	sdelay $0x2  }
0xc4: {  	s31 =	sshll.u32 s1, $0xD;
	s1 =	sshrl.u32 s1, $0x2  }
0xc5: {  	s3 =	sand.u32 $0x4000, s31;
	s1 =	sadd.s32 s1, s30  }
0xc6: {  	s0 =	sor.u32 s3, s0;
	s1 =	sshll.u32 s1, $0x11  }
0xc7: {  	s0 =	sor.u32 s1, s0  }
0xc8: {  	s0 =	sadd.s32 $0x8F2B, s0  }
0xc9: {  	[sflag:s0] =	ssyncadd.remote.s32 $0x1  }
0xca: {  	_ =	sfence.sel $0xFFFF  }
0xcb: {  	[dreg:$0x0] =	wrdreg $0xFFFFFFFF;
	(pc) =	sbr.abs _section_cstart, $3  }
0xcc: {  	[dreg:$0x1] =	wrdreg $0xFFFFFFFF  }
0xcd: {  	_ =	task.clear_ibuf [dreg:s11], $0x2FFFF;
	_ =	strace $0x9FFFFFFF  }
0xce: {  	(tm) =	ssettm $0x7FFFFFFF  }
0xcf: {  	_ =	shalt  }
tec
execute0_lowered:
.L_overlay_start_1:
0x0: {  	(tag) =	ssettag $0x1  }
0x1: {  	s5 =	rddreg [dreg:$0x0]  }
0x2: {  	s6 =	rddreg [dreg:$0x1]  }
0x3: {  	s1 =	rddreg [dreg:$0x2]  }
0x4: {  	s2 =	rddreg [dreg:$0x3]  }
0x5: {  	s8 =	rddreg [dreg:$0x4]  }
0x6: {  	s9 =	rddreg [dreg:$0x5];
	s4 =	srdreg.scid  }
0x7: {  	s0 =	rddreg [dreg:$0x6];
	s3 =	stileid.u32  }
0x8: {  	s13 =	simm.s32 $0x7D0;
	s14 =	simm.s32 $0x200;
	s15 =	simm.s32 $0x87D0  }
0x9: {  	s16 =	simm.s32 $0x3E8;
	s17 =	simm.s32 $0x1;
	s18 =	simm.s32 $0x2  }
0xa: {  	s19 =	simm.s32 $0x3;
	s20 =	simm.s32 $0x4;
	s21 =	simm.s32 $0x10DD0  }
0xb: {  	v0 =	vlaneseq.u32;
	s22 =	simm.s32 $0x109D0;
	s23 =	simm.s32 $0x10BD0;
	s24 =	simm.s32 $0x0  }
0xc: {  	s7 =	sand.u32 $0x1, s4;
	s4 =	simm.s32 $0x0;
	s10 =	sshll.u32 s3, $0xA;
	v0 =	vmul.u32 $0x11, v0  }
0xd: {  	s11 =	sshll.u32 s7, $0x9;
	[smem:$0x7FF] =	sst s4;
	s7 =	ssub.s32 $0x2, s7  }
0xe: {  	s10 =	sor.u32 s11, s10;
	_ =	strace $0x80000047;
	s12 =	sshrl.u32 s7, $0x1;
	v1 =	vadd.s32 $0x1, v0;
	v2 =	vadd.s32 $0x2, v0;
	v3 =	vadd.s32 $0x3, v0  }
0xf: {  	v4 =	vadd.s32 $0x4, v0;
	v5 =	vadd.s32 $0x5, v0;
	v6 =	vadd.s32 $0x6, v0;
	s11 =	sshll.u32 s10, $0x3;
	s10 =	sshrl.u32 s10, $0x3;
	s12 =	ssub.s32 s7, s12  }
0x10: {  	v7 =	vadd.s32 $0x7, v0;
	v8 =	vadd.s32 $0x8, v0;
	v9 =	vadd.s32 $0x9, v0;
	s11 =	sadd.s32 s11, s5;
	s5 =	sadd.s32 $0x21200, s5;
	s6 =	sadd.s32 s6, s10  }
0x11: {  	v10 =	vadd.s32 $0xA, v0;
	v11 =	vadd.s32 $0xB, v0;
	v12 =	vadd.s32 $0xC, v0;
	s8 =	sadd.s32 s8, s10;
	s9 =	sadd.s32 s9, s10;
	s10 =	smax.u32 s12, $0x1  }
0x12: {  	v13 =	vadd.s32 $0xD, v0;
	v14 =	vadd.s32 $0xE, v0;
	v15 =	vadd.s32 $0xF, v0;
	s12 =	simm.s32 $0x5;
	s7 =	sadd.s32 $0x1200, s11;
	s11 =	simm.s32 $0x107D0  }
.LBB2_1:
0x13: {  	[tilespmem:s11], [sflag:$0x5] =	stream.linear.gather [hbm4b:s6+s4], $0x200, $0x38;
	[tilespmem:$0x10EE0] =	vst v63  }
0x14: {  	_ =	swait.ge [sflag:s12], $0x200  }
0x15: {  	[sflag:s12] =	ssyncset.done $0x0  }
0x16: {  	[sflag:s12] =	ssyncadd.s32 $0xFFFFFE00  }
0x17: {  	[tilespmem:s13], [sflag:$0x1] =	stream.linear.gather [hbm4b:s7+s4], $0x8000, $0x38;
	[tilespmem:$0x10EE0] =	vst v63  }
0x18: {  	_ = 	snop  }
0x19: {  	[tilespmem:s15], [sflag:$0x2] =	stream.indirect.gather [hbm4b:s5+s14], $0x40, s11, s14, $0xb8;
	[tilespmem:$0x10EE0] =	vst v63  }
0x1a: {  	_ = 	snop  }
0x1b: {  	[tilespmem:s4], [sflag:$0x3] =	stream.linear.gather [hbm4b:s1+s4], $0x3E8, $0x38;
	[tilespmem:$0x10EE0] =	vst v63  }
0x1c: {  	_ = 	snop  }
0x1d: {  	[tilespmem:s16], [sflag:$0x4] =	stream.linear.gather [hbm4b:s2+s4], $0x3E8, $0x38;
	[tilespmem:$0x10EE0] =	vst v63  }
0x1e: {  	_ =	swait.ge [sflag:s17], $0x8000  }
0x1f: {  	[sflag:s17] =	ssyncset.done $0x0  }
0x20: {  	[sflag:s17] =	ssyncadd.s32 $0xFFFF8000  }
0x21: {  	_ =	swait.ge [sflag:s18], $0x8000  }
0x22: {  	[sflag:s18] =	ssyncset.done $0x0  }
0x23: {  	[sflag:s18] =	ssyncadd.s32 $0xFFFF8000  }
0x24: {  	_ =	swait.ge [sflag:s19], $0x3E8  }
0x25: {  	[sflag:s19] =	ssyncset.done $0x0  }
0x26: {  	[sflag:s19] =	ssyncadd.s32 $0xFFFFFC18  }
0x27: {  	_ =	swait.ge [sflag:s20], $0x3E8  }
0x28: {  	s25 =	simm.s32 $0x9D0;
	[sflag:s20] =	ssyncset.done $0x0  }
0x29: {  	s26 =	simm.s32 $0x89D0;
	s28 =	simm.s32 $0x0;
	[sflag:s20] =	ssyncadd.s32 $0xFFFFFC18  }
.LBB2_2:
0x2a: {  	v16 =	vld [tilespmem:s25+$0xFFFFFE00]  }
0x2b: {  	v17 =	vld [tilespmem:s26+$0xFFFFFE00]  }
0x2c: {  	v18 =	vld [tilespmem:s25+$0xFFFFFE10]  }
0x2d: {  	v19 =	vld [tilespmem:s26+$0xFFFFFE10]  }
0x2e: {  	v20 =	vld [tilespmem:s25+$0xFFFFFE20]  }
0x2f: {  	v21 =	vld [tilespmem:s26+$0xFFFFFE20]  }
0x30: {  	v22 =	vld [tilespmem:s25+$0xFFFFFE30]  }
0x31: {  	v23 =	vld [tilespmem:s26+$0xFFFFFE30];
	_ =	sdelay $0x3  }
0x32: {  	v16 =	vmul.f32 v17, v16;
	v17 =	vmul.f32 v19, v18  }
0x33: {  	v29 =	vmul.f32 v21, v20;
	v30 =	vmul.f32 v23, v22;
	_ =	sdelay $0x1  }
0x34: {  	v16 =	vadd.f32 v17, v16;
	v17 =	vadd.f32 v30, v29;
	_ =	sdelay $0x1  }
0x35: {  	v17 =	vadd.f32 v17, v16  }
0x36: {  	s29 =	sshra.s32 s28, $0x2  }
0x37: {  	v16 =	vld [tilespmem:s29+$0x107D0];
	[tilespmem:v0+s21+$0x0] =	vst.idx.msk $0xffff, v17  }
0x38: {  	v17 =	vld [tilespmem:s25+$0xFFFFFE40]  }
0x39: {  	v31 =	vld [tilespmem:s26+$0xFFFFFE40]  }
0x3a: {  	v32 =	vld [tilespmem:s25+$0xFFFFFE50]  }
0x3b: {  	v33 =	vld [tilespmem:s26+$0xFFFFFE50]  }
0x3c: {  	v34 =	vld [tilespmem:s25+$0xFFFFFE60]  }
0x3d: {  	v35 =	vld [tilespmem:s26+$0xFFFFFE60]  }
0x3e: {  	v36 =	vld [tilespmem:s25+$0xFFFFFE70]  }
0x3f: {  	v24 =	vld [tilespmem:s26+$0xFFFFFE70];
	_ =	sdelay $0x3  }
0x40: {  	v17 =	vmul.f32 v31, v17;
	v37 =	vmul.f32 v33, v32  }
0x41: {  	v38 =	vmul.f32 v35, v34;
	v39 =	vmul.f32 v24, v36;
	_ =	sdelay $0x1  }
0x42: {  	v17 =	vadd.f32 v37, v17;
	v40 =	vadd.f32 v39, v38;
	_ =	sdelay $0x1  }
0x43: {  	v17 =	vadd.f32 v40, v17;
	_ =	sdelay $0x1  }
0x44: {  	[tilespmem:v1+s21+$0x0] =	vst.idx.msk $0xffff, v17  }
0x45: {  	v17 =	vld [tilespmem:s25+$0xFFFFFE80]  }
0x46: {  	v41 =	vld [tilespmem:s26+$0xFFFFFE80]  }
0x47: {  	v42 =	vld [tilespmem:s25+$0xFFFFFE90]  }
0x48: {  	v43 =	vld [tilespmem:s26+$0xFFFFFE90]  }
0x49: {  	v44 =	vld [tilespmem:s25+$0xFFFFFEA0]  }
0x4a: {  	v45 =	vld [tilespmem:s26+$0xFFFFFEA0]  }
0x4b: {  	v46 =	vld [tilespmem:s25+$0xFFFFFEB0]  }
0x4c: {  	v47 =	vld [tilespmem:s26+$0xFFFFFEB0];
	_ =	sdelay $0x3  }
0x4d: {  	v17 =	vmul.f32 v41, v17;
	v48 =	vmul.f32 v43, v42  }
0x4e: {  	v49 =	vmul.f32 v45, v44;
	v50 =	vmul.f32 v47, v46;
	_ =	sdelay $0x1  }
0x4f: {  	v17 =	vadd.f32 v48, v17;
	v51 =	vadd.f32 v50, v49;
	_ =	sdelay $0x1  }
0x50: {  	v17 =	vadd.f32 v51, v17;
	_ =	sdelay $0x1  }
0x51: {  	[tilespmem:v2+s21+$0x0] =	vst.idx.msk $0xffff, v17  }
0x52: {  	v17 =	vld [tilespmem:s25+$0xFFFFFEC0]  }
0x53: {  	v52 =	vld [tilespmem:s26+$0xFFFFFEC0]  }
0x54: {  	v53 =	vld [tilespmem:s25+$0xFFFFFED0]  }
0x55: {  	v54 =	vld [tilespmem:s26+$0xFFFFFED0]  }
0x56: {  	v55 =	vld [tilespmem:s25+$0xFFFFFEE0]  }
0x57: {  	v56 =	vld [tilespmem:s26+$0xFFFFFEE0]  }
0x58: {  	v57 =	vld [tilespmem:s25+$0xFFFFFEF0]  }
0x59: {  	v58 =	vld [tilespmem:s26+$0xFFFFFEF0];
	_ =	sdelay $0x3  }
0x5a: {  	v17 =	vmul.f32 v52, v17;
	v59 =	vmul.f32 v54, v53  }
0x5b: {  	v60 =	vmul.f32 v56, v55;
	v61 =	vmul.f32 v58, v57;
	_ =	sdelay $0x1  }
0x5c: {  	v17 =	vadd.f32 v59, v17;
	v62 =	vadd.f32 v61, v60;
	_ =	sdelay $0x1  }
0x5d: {  	v17 =	vadd.f32 v62, v17;
	_ =	sdelay $0x1  }
0x5e: {  	[tilespmem:v3+s21+$0x0] =	vst.idx.msk $0xffff, v17  }
0x5f: {  	v17 =	vld [tilespmem:s25+$0xFFFFFF00]  }
0x60: {  	v63 =	vld [tilespmem:s26+$0xFFFFFF00]  }
0x61: {  	v28 =	vld [tilespmem:s25+$0xFFFFFF10]  }
0x62: {  	v29 =	vld [tilespmem:s26+$0xFFFFFF10]  }
0x63: {  	v30 =	vld [tilespmem:s25+$0xFFFFFF20]  }
0x64: {  	v31 =	vld [tilespmem:s26+$0xFFFFFF20]  }
0x65: {  	v32 =	vld [tilespmem:s25+$0xFFFFFF30]  }
0x66: {  	v33 =	vld [tilespmem:s26+$0xFFFFFF30];
	_ =	sdelay $0x3  }
0x67: {  	v17 =	vmul.f32 v63, v17;
	v34 =	vmul.f32 v29, v28  }
0x68: {  	v35 =	vmul.f32 v31, v30;
	v36 =	vmul.f32 v33, v32;
	_ =	sdelay $0x1  }
0x69: {  	v17 =	vadd.f32 v34, v17;
	v37 =	vadd.f32 v36, v35;
	_ =	sdelay $0x1  }
0x6a: {  	v17 =	vadd.f32 v37, v17;
	_ =	sdelay $0x1  }
0x6b: {  	[tilespmem:v4+s21+$0x0] =	vst.idx.msk $0xffff, v17  }
0x6c: {  	v17 =	vld [tilespmem:s25+$0xFFFFFF40]  }
0x6d: {  	v38 =	vld [tilespmem:s26+$0xFFFFFF40]  }
0x6e: {  	v39 =	vld [tilespmem:s25+$0xFFFFFF50]  }
0x6f: {  	v40 =	vld [tilespmem:s26+$0xFFFFFF50]  }
0x70: {  	v41 =	vld [tilespmem:s25+$0xFFFFFF60]  }
0x71: {  	v42 =	vld [tilespmem:s26+$0xFFFFFF60]  }
0x72: {  	v43 =	vld [tilespmem:s25+$0xFFFFFF70]  }
0x73: {  	v44 =	vld [tilespmem:s26+$0xFFFFFF70];
	_ =	sdelay $0x3  }
0x74: {  	v17 =	vmul.f32 v38, v17;
	v45 =	vmul.f32 v40, v39  }
0x75: {  	v46 =	vmul.f32 v42, v41;
	v47 =	vmul.f32 v44, v43;
	_ =	sdelay $0x1  }
0x76: {  	v17 =	vadd.f32 v45, v17;
	v48 =	vadd.f32 v47, v46;
	_ =	sdelay $0x1  }
0x77: {  	v17 =	vadd.f32 v48, v17;
	_ =	sdelay $0x1  }
0x78: {  	[tilespmem:v5+s21+$0x0] =	vst.idx.msk $0xffff, v17  }
0x79: {  	v17 =	vld [tilespmem:s25+$0xFFFFFF80]  }
0x7a: {  	v49 =	vld [tilespmem:s26+$0xFFFFFF80]  }
0x7b: {  	v50 =	vld [tilespmem:s25+$0xFFFFFF90]  }
0x7c: {  	v51 =	vld [tilespmem:s26+$0xFFFFFF90]  }
0x7d: {  	v52 =	vld [tilespmem:s25+$0xFFFFFFA0]  }
0x7e: {  	v53 =	vld [tilespmem:s26+$0xFFFFFFA0]  }
0x7f: {  	v54 =	vld [tilespmem:s25+$0xFFFFFFB0]  }
0x80: {  	v55 =	vld [tilespmem:s26+$0xFFFFFFB0];
	_ =	sdelay $0x3  }
0x81: {  	v17 =	vmul.f32 v49, v17;
	v56 =	vmul.f32 v51, v50  }
0x82: {  	v57 =	vmul.f32 v53, v52;
	v58 =	vmul.f32 v55, v54;
	_ =	sdelay $0x1  }
0x83: {  	v17 =	vadd.f32 v56, v17;
	v59 =	vadd.f32 v58, v57;
	_ =	sdelay $0x1  }
0x84: {  	v17 =	vadd.f32 v59, v17;
	_ =	sdelay $0x1  }
0x85: {  	[tilespmem:v6+s21+$0x0] =	vst.idx.msk $0xffff, v17  }
0x86: {  	v17 =	vld [tilespmem:s25+$0xFFFFFFC0]  }
0x87: {  	v60 =	vld [tilespmem:s26+$0xFFFFFFC0]  }
0x88: {  	v61 =	vld [tilespmem:s25+$0xFFFFFFD0]  }
0x89: {  	v62 =	vld [tilespmem:s26+$0xFFFFFFD0]  }
0x8a: {  	v63 =	vld [tilespmem:s25+$0xFFFFFFE0]  }
0x8b: {  	v28 =	vld [tilespmem:s26+$0xFFFFFFE0]  }
0x8c: {  	v29 =	vld [tilespmem:s25+$0xFFFFFFF0]  }
0x8d: {  	v30 =	vld [tilespmem:s26+$0xFFFFFFF0];
	_ =	sdelay $0x3  }
0x8e: {  	v17 =	vmul.f32 v60, v17;
	v31 =	vmul.f32 v62, v61  }
0x8f: {  	v32 =	vmul.f32 v28, v63;
	v33 =	vmul.f32 v30, v29;
	_ =	sdelay $0x1  }
0x90: {  	v17 =	vadd.f32 v31, v17;
	v34 =	vadd.f32 v33, v32;
	_ =	sdelay $0x1  }
0x91: {  	v17 =	vadd.f32 v34, v17;
	_ =	sdelay $0x1  }
0x92: {  	[tilespmem:v7+s21+$0x0] =	vst.idx.msk $0xffff, v17  }
0x93: {  	v17 =	vld [tilespmem:s25+$0x0]  }
0x94: {  	v35 =	vld [tilespmem:s26+$0x0]  }
0x95: {  	v36 =	vld [tilespmem:s25+$0x10]  }
0x96: {  	v37 =	vld [tilespmem:s26+$0x10]  }
0x97: {  	v38 =	vld [tilespmem:s25+$0x20]  }
0x98: {  	v39 =	vld [tilespmem:s26+$0x20]  }
0x99: {  	v40 =	vld [tilespmem:s25+$0x30]  }
0x9a: {  	v41 =	vld [tilespmem:s26+$0x30];
	_ =	sdelay $0x3  }
0x9b: {  	v17 =	vmul.f32 v35, v17;
	v42 =	vmul.f32 v37, v36  }
0x9c: {  	v43 =	vmul.f32 v39, v38;
	v44 =	vmul.f32 v41, v40;
	_ =	sdelay $0x1  }
0x9d: {  	v17 =	vadd.f32 v42, v17;
	v45 =	vadd.f32 v44, v43;
	_ =	sdelay $0x1  }
0x9e: {  	v17 =	vadd.f32 v45, v17;
	_ =	sdelay $0x1  }
0x9f: {  	[tilespmem:v8+s21+$0x0] =	vst.idx.msk $0xffff, v17  }
0xa0: {  	v17 =	vld [tilespmem:s25+$0x40]  }
0xa1: {  	v46 =	vld [tilespmem:s26+$0x40]  }
0xa2: {  	v47 =	vld [tilespmem:s25+$0x50]  }
0xa3: {  	v48 =	vld [tilespmem:s26+$0x50]  }
0xa4: {  	v49 =	vld [tilespmem:s25+$0x60]  }
0xa5: {  	v50 =	vld [tilespmem:s26+$0x60]  }
0xa6: {  	v51 =	vld [tilespmem:s25+$0x70]  }
0xa7: {  	v52 =	vld [tilespmem:s26+$0x70];
	_ =	sdelay $0x3  }
0xa8: {  	v17 =	vmul.f32 v46, v17;
	v53 =	vmul.f32 v48, v47  }
0xa9: {  	v54 =	vmul.f32 v50, v49;
	v55 =	vmul.f32 v52, v51;
	_ =	sdelay $0x1  }
0xaa: {  	v17 =	vadd.f32 v53, v17;
	v56 =	vadd.f32 v55, v54;
	_ =	sdelay $0x1  }
0xab: {  	v17 =	vadd.f32 v56, v17;
	_ =	sdelay $0x1  }
0xac: {  	[tilespmem:v9+s21+$0x0] =	vst.idx.msk $0xffff, v17  }
0xad: {  	v17 =	vld [tilespmem:s25+$0x80]  }
0xae: {  	v57 =	vld [tilespmem:s26+$0x80]  }
0xaf: {  	v58 =	vld [tilespmem:s25+$0x90]  }
0xb0: {  	v59 =	vld [tilespmem:s26+$0x90]  }
0xb1: {  	v60 =	vld [tilespmem:s25+$0xA0]  }
0xb2: {  	v61 =	vld [tilespmem:s26+$0xA0]  }
0xb3: {  	v62 =	vld [tilespmem:s25+$0xB0]  }
0xb4: {  	v63 =	vld [tilespmem:s26+$0xB0];
	_ =	sdelay $0x3  }
0xb5: {  	v17 =	vmul.f32 v57, v17;
	v25 =	vmul.f32 v59, v58  }
0xb6: {  	v26 =	vmul.f32 v61, v60;
	v27 =	vmul.f32 v63, v62;
	_ =	sdelay $0x1  }
0xb7: {  	v17 =	vadd.f32 v25, v17;
	v28 =	vadd.f32 v27, v26;
	_ =	sdelay $0x1  }
0xb8: {  	v17 =	vadd.f32 v28, v17;
	_ =	sdelay $0x1  }
0xb9: {  	[tilespmem:v10+s21+$0x0] =	vst.idx.msk $0xffff, v17  }
0xba: {  	v17 =	vld [tilespmem:s25+$0xC0]  }
0xbb: {  	v29 =	vld [tilespmem:s26+$0xC0]  }
0xbc: {  	v30 =	vld [tilespmem:s25+$0xD0]  }
0xbd: {  	v31 =	vld [tilespmem:s26+$0xD0]  }
0xbe: {  	v32 =	vld [tilespmem:s25+$0xE0]  }
0xbf: {  	v33 =	vld [tilespmem:s26+$0xE0]  }
0xc0: {  	v34 =	vld [tilespmem:s25+$0xF0]  }
0xc1: {  	v35 =	vld [tilespmem:s26+$0xF0];
	_ =	sdelay $0x3  }
0xc2: {  	v17 =	vmul.f32 v29, v17;
	v36 =	vmul.f32 v31, v30  }
0xc3: {  	v37 =	vmul.f32 v33, v32;
	v38 =	vmul.f32 v35, v34;
	_ =	sdelay $0x1  }
0xc4: {  	v17 =	vadd.f32 v36, v17;
	v39 =	vadd.f32 v38, v37;
	_ =	sdelay $0x1  }
0xc5: {  	v17 =	vadd.f32 v39, v17;
	_ =	sdelay $0x1  }
0xc6: {  	[tilespmem:v11+s21+$0x0] =	vst.idx.msk $0xffff, v17  }
0xc7: {  	v17 =	vld [tilespmem:s25+$0x100]  }
0xc8: {  	v40 =	vld [tilespmem:s26+$0x100]  }
0xc9: {  	v41 =	vld [tilespmem:s25+$0x110]  }
0xca: {  	v42 =	vld [tilespmem:s26+$0x110]  }
0xcb: {  	v43 =	vld [tilespmem:s25+$0x120]  }
0xcc: {  	v44 =	vld [tilespmem:s26+$0x120]  }
0xcd: {  	v45 =	vld [tilespmem:s25+$0x130]  }
0xce: {  	v46 =	vld [tilespmem:s26+$0x130];
	_ =	sdelay $0x3  }
0xcf: {  	v17 =	vmul.f32 v40, v17;
	v47 =	vmul.f32 v42, v41  }
0xd0: {  	v48 =	vmul.f32 v44, v43;
	v49 =	vmul.f32 v46, v45;
	_ =	sdelay $0x1  }
0xd1: {  	v17 =	vadd.f32 v47, v17;
	v50 =	vadd.f32 v49, v48;
	_ =	sdelay $0x1  }
0xd2: {  	v17 =	vadd.f32 v50, v17;
	_ =	sdelay $0x1  }
0xd3: {  	[tilespmem:v12+s21+$0x0] =	vst.idx.msk $0xffff, v17  }
0xd4: {  	v17 =	vld [tilespmem:s25+$0x140]  }
0xd5: {  	v51 =	vld [tilespmem:s26+$0x140]  }
0xd6: {  	v52 =	vld [tilespmem:s25+$0x150]  }
0xd7: {  	v53 =	vld [tilespmem:s26+$0x150]  }
0xd8: {  	v54 =	vld [tilespmem:s25+$0x160]  }
0xd9: {  	v55 =	vld [tilespmem:s26+$0x160]  }
0xda: {  	v56 =	vld [tilespmem:s25+$0x170]  }
0xdb: {  	v57 =	vld [tilespmem:s26+$0x170];
	_ =	sdelay $0x3  }
0xdc: {  	v17 =	vmul.f32 v51, v17;
	v58 =	vmul.f32 v53, v52  }
0xdd: {  	v59 =	vmul.f32 v55, v54;
	v60 =	vmul.f32 v57, v56;
	_ =	sdelay $0x1  }
0xde: {  	v17 =	vadd.f32 v58, v17;
	v61 =	vadd.f32 v60, v59;
	_ =	sdelay $0x1  }
0xdf: {  	v17 =	vadd.f32 v61, v17;
	_ =	sdelay $0x1  }
0xe0: {  	[tilespmem:v13+s21+$0x0] =	vst.idx.msk $0xffff, v17  }
0xe1: {  	v17 =	vld [tilespmem:s25+$0x180]  }
0xe2: {  	v62 =	vld [tilespmem:s26+$0x180]  }
0xe3: {  	v63 =	vld [tilespmem:s25+$0x190]  }
0xe4: {  	v28 =	vld [tilespmem:s26+$0x190]  }
0xe5: {  	v29 =	vld [tilespmem:s25+$0x1A0]  }
0xe6: {  	v30 =	vld [tilespmem:s26+$0x1A0]  }
0xe7: {  	v31 =	vld [tilespmem:s25+$0x1B0]  }
0xe8: {  	v32 =	vld [tilespmem:s26+$0x1B0];
	_ =	sdelay $0x3  }
0xe9: {  	v17 =	vmul.f32 v62, v17;
	v33 =	vmul.f32 v28, v63  }
0xea: {  	v34 =	vmul.f32 v30, v29;
	v35 =	vmul.f32 v32, v31;
	_ =	sdelay $0x1  }
0xeb: {  	v17 =	vadd.f32 v33, v17;
	v36 =	vadd.f32 v35, v34;
	_ =	sdelay $0x1  }
0xec: {  	v17 =	vadd.f32 v36, v17;
	_ =	sdelay $0x1  }
0xed: {  	[tilespmem:v14+s21+$0x0] =	vst.idx.msk $0xffff, v17  }
0xee: {  	v17 =	vld [tilespmem:s25+$0x1C0]  }
0xef: {  	v37 =	vld [tilespmem:s26+$0x1C0]  }
0xf0: {  	v38 =	vld [tilespmem:s25+$0x1D0]  }
0xf1: {  	v39 =	vld [tilespmem:s26+$0x1D0]  }
0xf2: {  	v40 =	vld [tilespmem:s25+$0x1E0]  }
0xf3: {  	v41 =	vld [tilespmem:s26+$0x1E0]  }
0xf4: {  	v42 =	vld [tilespmem:s25+$0x1F0]  }
0xf5: {  	v43 =	vld [tilespmem:s26+$0x1F0];
	_ =	sdelay $0x3  }
0xf6: {  	v17 =	vmul.f32 v37, v17;
	v44 =	vmul.f32 v39, v38  }
0xf7: {  	v45 =	vmul.f32 v41, v40;
	v46 =	vmul.f32 v43, v42;
	_ =	sdelay $0x1  }
0xf8: {  	v17 =	vadd.f32 v44, v17;
	v47 =	vadd.f32 v46, v45;
	_ =	sdelay $0x1  }
0xf9: {  	v17 =	vadd.f32 v47, v17;
	_ =	sdelay $0x1  }
0xfa: {  	[tilespmem:v15+s21+$0x0] =	vst.idx.msk $0xffff, v17  }
0xfb: {  	v17 =	vld.idx.msk [tilespmem:v16+s4+$0x0], $0xffff  }
0xfc: {  	v48 =	vld [tilespmem:$0x10DD0];
	_ =	sdelay $0x1  }
0xfd: {  	v49 =	vld [tilespmem:$0x10DE1];
	_ =	sdelay $0x1  }
0xfe: {  	v50 =	vld [tilespmem:$0x10DF2]  }
0xff: {  	v17 =	vadd.f32 v48, v17  }
0x100: {  	v51 =	vld [tilespmem:$0x10E03]  }
0x101: {  	v17 =	vadd.f32 v49, v17  }
0x102: {  	v52 =	vld [tilespmem:$0x10E14]  }
0x103: {  	v17 =	vadd.f32 v50, v17  }
0x104: {  	v53 =	vld [tilespmem:$0x10E25]  }
0x105: {  	v17 =	vadd.f32 v51, v17  }
0x106: {  	v54 =	vld [tilespmem:$0x10E36]  }
0x107: {  	v17 =	vadd.f32 v52, v17  }
0x108: {  	v55 =	vld [tilespmem:$0x10E47]  }
0x109: {  	v17 =	vadd.f32 v53, v17  }
0x10a: {  	v56 =	vld [tilespmem:$0x10E58]  }
0x10b: {  	v17 =	vadd.f32 v54, v17  }
0x10c: {  	v57 =	vld [tilespmem:$0x10E69]  }
0x10d: {  	v17 =	vadd.f32 v55, v17  }
0x10e: {  	v58 =	vld [tilespmem:$0x10E7A]  }
0x10f: {  	v17 =	vadd.f32 v56, v17  }
0x110: {  	v59 =	vld [tilespmem:$0x10E8B]  }
0x111: {  	v17 =	vadd.f32 v57, v17  }
0x112: {  	v60 =	vld [tilespmem:$0x10E9C]  }
0x113: {  	v17 =	vadd.f32 v58, v17  }
0x114: {  	v61 =	vld [tilespmem:$0x10EAD]  }
0x115: {  	v17 =	vadd.f32 v59, v17  }
0x116: {  	v62 =	vld [tilespmem:$0x10EBE]  }
0x117: {  	v17 =	vadd.f32 v60, v17  }
0x118: {  	v63 =	vld [tilespmem:$0x10ECF]  }
0x119: {  	v17 =	vadd.f32 v61, v17;
	_ =	sdelay $0x1  }
0x11a: {  	v17 =	vadd.f32 v62, v17;
	_ =	sdelay $0x1  }
0x11b: {  	v17 =	vadd.f32 v63, v17;
	_ =	sdelay $0x1  }
0x11c: {  	v17 =	vmul.f32 $1.442695020e+00, v17;
	_ =	sdelay $0x1  }
0x11d: {  	(erf) = vpow2.f32 v17;
	_ =	sdelay $0x8  }
0x11e: {  	v17 =	vpop (erf)  }
0x11f: {  	[tilespmem:s29+$0x109D0] =	vst v17  }
0x120: {  	p0 =	sne.s32 s28, $0x7C0;
	v16 =	vld.idx.msk [tilespmem:v16+s16+$0x0], $0xffff  }
.Ltmp0:
0x121: {  	_ = 	snop;
	(pc) =	sbr.rel @p0 .LBB2_2-.Ltmp0, $2  }
0x122: {  	_ =	sdelay $0x2  }
0x123: {  	s28 =	sadd.s32 $0x40, s28;
	s25 =	sadd.s32 $0x400, s25;
	s26 =	sadd.s32 $0x400, s26;
	[tilespmem:s29+$0x10BD0] =	vst v16  }
0x124: {  	[hbm4b:s8+s4] =	stream.linear.scatter [tilespmem:s22], [sflag:$0x5], $0x200, $0x38;
	[tilespmem:$0x10EE0] =	vst v63  }
0x125: {  	s24 =	sadd.s32 $0x1, s24;
	_ =	swait.ge [sflag:s12], $0x200  }
0x126: {  	p0 =	sne.s32 s24, s10;
	[sflag:s12] =	ssyncset.done $0x0  }
.Ltmp1:
0x127: {  	[sflag:s12] =	ssyncadd.s32 $0xFFFFFE00;
	(pc) =	sbr.rel @p0 .LBB2_1-.Ltmp1, $4  }
0x128: {  	[hbm4b:s9+s4] =	stream.linear.scatter [tilespmem:s23], [sflag:$0x5], $0x200, $0x38;
	[tilespmem:$0x10EE0] =	vst v63  }
0x129: {  	_ =	swait.ge [sflag:s12], $0x200  }
0x12a: {  	[sflag:s12] =	ssyncset.done $0x0  }
0x12b: {  	[sflag:s12] =	ssyncadd.s32 $0xFFFFFE00  }
0x12c: {  	_ =	sfence.sel $0x180000  }
0x12d: {  	[bflag:$0x0] =	sbarrier.arrive $0xFFFF  }
0x12e: {  	p0 =	sne.s32 s3, $0x0;
	_ =	strace $0x90000047  }
0x12f: {  	s0 =	sadd.s32 @!p0 $0x100000, s0;
	[bflag:$0x2] =	sbarrier.arrive $0xFFFF  }
0x130: {  	[sflag:s0] =	ssyncadd.tile.s32 @!p0 $0x1;
	_ =	shalt  }
.Lfunc_end2:
_tile_overlayer_lowered:
.L_overlay_start_2:
0x131: {  	(tag) =	ssettag $0x2  }
0x132: {  	s0 =	rddreg [dreg:$0x0];
	s2 =	stileid.u32  }
0x133: {  	s1 =	rddreg [dreg:$0x1];
	p0 =	sne.s32 s2, $0x0  }
0x134: {  	s3 =	rddreg [dreg:$0x2];
	[bflag:$0x3] =	sbarrier.arrive $0xFFFF;
	s2 =	simm.s32 @!p0 $0x1C05  }
0x135: {  	[timem:s3], [sflag:s2] =	dma.local @!p0 [hbm:s0], s1  }
0x136: {  	s0 =	simm.s32 @!p0 $0x5  }
0x137: {  	_ =	swait.ge @!p0 [sflag:s0], s1  }
0x138: {  	s1 =	ssub.s32 @!p0 $0x0, s1;
	[sflag:s0] =	ssyncset.done @!p0 $0x0  }
0x139: {  	[sflag:s0] =	ssyncadd.s32 @!p0 s1  }
0x13a: {  	[bflag:$0x3] =	sbarrier.arrive $0xFFFF  }
0x13b: {  	_ =	shalt  }

</sc_bundles>
